<compile_context>
chip_gen: v7x
topology: tpu7x:2x2x1
jax: 0.10.2.dev20260603
libtpu: 0.0.44.dev20260713+nightly
codegen_flags: <defaults>
</compile_context>

<pallas_src>
import functools

import jax
import jax.numpy as jnp
from jax import lax
from jax.experimental import pallas as pl
from jax.experimental.pallas import tpu as pltpu
from jax.experimental.pallas import tpu_sc as plsc

NUM_FIELDS = 26
ROWS_PER_FIELD = 100000
EMBED = 16
BATCH = 16384
N = BATCH * NUM_FIELDS

LANES = 16
NUM_CORES = 2
NUM_SUBCORES = 16
NW = NUM_CORES * NUM_SUBCORES
PER_W = N // NW
CHUNK = 416
NCHUNK = PER_W // CHUNK
VECS = CHUNK // LANES
NBUF = 8
NGROUP = NCHUNK // NBUF

REC_PER_B = 256
OUT_RECS = BATCH * REC_PER_B


def _sc_lookup(x_flat, table):
    mesh = plsc.VectorSubcoreMesh(core_axis_name="c", subcore_axis_name="s")

    @functools.partial(
        pl.kernel,
        mesh=mesh,
        out_type=jax.ShapeDtypeStruct((OUT_RECS, EMBED), jnp.float32),
        compiler_params=pltpu.CompilerParams(use_tc_tiling_on_sc=False),
        scratch_types=[
            pltpu.VMEM((NCHUNK, CHUNK), jnp.int32),
            pltpu.VMEM((NCHUNK, CHUNK), jnp.int32),
            pltpu.VMEM((NBUF, CHUNK, EMBED), jnp.float32),
            pltpu.SemaphoreType.DMA((NBUF,)),
            pltpu.SemaphoreType.DMA((NBUF,)),
        ],
    )
    def k(x_hbm, table_hbm, out_hbm, idx_v, oidx_v, rows_v, gsem, osem):
        wid = lax.axis_index("s") * NUM_CORES + lax.axis_index("c")
        base = wid * PER_W
        lane = lax.iota(jnp.int32, LANES)

        pltpu.sync_copy(x_hbm.at[wid], idx_v)

        def adjust(ci):
            row = idx_v.at[ci]
            orow = oidx_v.at[ci]

            def body(i, _):
                off = i * LANES
                p = base + ci * CHUNK + off + lane
                f = lax.rem(p, NUM_FIELDS)
                b = lax.div(p, NUM_FIELDS)
                row[pl.ds(off, LANES)] = (
                    row[pl.ds(off, LANES)] + f * ROWS_PER_FIELD
                )
                orow[pl.ds(off, LANES)] = b * REC_PER_B + f * 8
                return 0

            lax.fori_loop(0, VECS, body, 0)

        def start_gather(ci, b):
            pltpu.async_copy(
                table_hbm.at[idx_v.at[ci]], rows_v.at[b], gsem.at[b]
            )

        def wait_gather(b):
            pltpu.make_async_copy(
                out_hbm.at[pl.ds(0, CHUNK)], rows_v.at[b], gsem.at[b]
            ).wait()

        def start_out(ci, b):
            pltpu.async_copy(
                rows_v.at[b], out_hbm.at[oidx_v.at[ci]], osem.at[b]
            )

        def wait_out(b):
            pltpu.make_async_copy(
                rows_v.at[b], out_hbm.at[pl.ds(0, CHUNK)], osem.at[b]
            ).wait()

        def group(g, _):
            for b in range(NBUF):
                @pl.when(g > 0)
                def _():
                    wait_out(b)

                adjust(g * NBUF + b)
                start_gather(g * NBUF + b, b)
            for b in range(NBUF):
                wait_gather(b)
                start_out(g * NBUF + b, b)
            return 0

        lax.fori_loop(0, NGROUP, group, 0)

        for b in range(NBUF):
            wait_out(b)

    return k(x_flat, table)


def kernel(x, table):
    x_flat = x.reshape(NW, NCHUNK, CHUNK)
    out_pad = _sc_lookup(x_flat, table)
    return out_pad.reshape(BATCH, 32, 8, EMBED)[:, :NUM_FIELDS, 0, :]

# --- scband reference (transcript-rebuilt; emitter-appended) ---
"""Pipeline reference for scband-features-embedding-87299505259041 (READ-ONLY COPY).

The authoritative reference and input builder live on the scoring server;
editing this copy changes nothing except your own understanding.
"""

import jax, jax.numpy as jnp
import numpy as np

FIELD_DIMS = [100000] * 26
EMBED_DIM = 16
BATCH = 16384
TOTAL_ROWS = sum(FIELD_DIMS)


def setup_inputs(seed: int = 0) -> dict:
    key = jax.random.key(seed)
    k1, k2 = jax.random.split(key)
    x = jax.random.randint(k1, (BATCH, len(FIELD_DIMS)), 0, 100000, dtype=jnp.int32)
    # xavier_normal-ish init for the embedding table
    std = float(np.sqrt(2.0 / (TOTAL_ROWS + EMBED_DIM)))
    table = jax.random.normal(k2, (TOTAL_ROWS, EMBED_DIM), dtype=jnp.float32) * std
    return {"x": x, "table": table}


def reference(x, table):
    offsets = jnp.asarray(
        np.concatenate([[0], np.cumsum(FIELD_DIMS[:-1])]), dtype=x.dtype
    )
    idx = x + offsets[None, :]
    # embedding lookup -> gather rows from table
    return jnp.take(table, idx, axis=0)

if __name__ == "__main__":
    import jax
    _d = setup_inputs()
    print(jax.jit(kernel)(*tuple(_d.values())))

</pallas_src>

<mosaic_0001>
#map = affine_map<(d0, d1) -> (0, 0, 0)>
#map1 = affine_map<(d0, d1) -> (0, 0)>
module attributes {stable_mosaic.version = 14 : i64} {
  func.func @k(%arg0: i32, %arg1: i32, %arg2: memref<32x32x416xi32, #tpu.memory_space<hbm>>, %arg3: memref<2600000x16xf32, #tpu.memory_space<hbm>>, %arg4: memref<4194304x16xf32, #tpu.memory_space<hbm>>, %arg5: memref<32x416xi32, #tpu.memory_space<vmem>>, %arg6: memref<32x416xi32, #tpu.memory_space<vmem>>, %arg7: memref<8x416x16xf32, #tpu.memory_space<vmem>>, %arg8: memref<8x!tpu.dma_semaphore, #tpu.memory_space<semaphore_mem>>, %arg9: memref<8x!tpu.dma_semaphore, #tpu.memory_space<semaphore_mem>>) attributes {dimension_semantics = [#tpu.dimension_semantics<core_parallel>, #tpu.dimension_semantics<subcore_parallel>], iteration_bounds = array<i64: 2, 16>, scalar_prefetch = 0 : i64, scratch_operands = 5 : i64, tpu.core_type = #tpu.core_type<sc_vector_subcore>, window_params = [{transform_indices = #map}, {transform_indices = #map1}, {transform_indices = #map1}]} {
    %mul3A = arith.constant 2 : i32
    %mul3A_0 = arith.muli %arg1, %mul3A : i32
    %add3A = arith.addi %mul3A_0, %arg0 : i32
    %mul3A_1 = arith.constant 13312 : i32
    %mul3A_2 = arith.muli %add3A, %mul3A_1 : i32
    %iota3A = tpu.iota {dimensions = array<i32: 0>} : vector<16xi32>
    "tpu.region"() ({
      %run_scoped3A = tpu.sem_alloc : memref<!tpu.dma_semaphore, #tpu.memory_space<semaphore_mem>>
      %dma_start3A = arith.constant 0 : i32
      %dma_start3A_152 = arith.constant 0 : i32
      %dma_start3A_153 = tpu.memref_slice %arg2[%add3A, %dma_start3A, %dma_start3A_152] : memref<32x32x416xi32, #tpu.memory_space<hbm>> -> memref<1x32x416xi32, #tpu.memory_space<hbm>>
      %dma_start3A_154 = tpu.memref_squeeze %dma_start3A_153 : memref<1x32x416xi32, #tpu.memory_space<hbm>> -> memref<32x416xi32, #tpu.memory_space<hbm>>
      %dma_start3A_155 = arith.constant 0 : i32
      %dma_start3A_156 = arith.constant 0 : i32
      %dma_start3A_157 = tpu.memref_slice %arg2[%add3A, %dma_start3A_155, %dma_start3A_156] : memref<32x32x416xi32, #tpu.memory_space<hbm>> -> memref<1x32x416xi32, #tpu.memory_space<hbm>>
      %dma_start3A_158 = tpu.memref_squeeze %dma_start3A_157 : memref<1x32x416xi32, #tpu.memory_space<hbm>> -> memref<32x416xi32, #tpu.memory_space<hbm>>
      tpu.enqueue_dma source(%dma_start3A_158 : memref<32x416xi32, #tpu.memory_space<hbm>>) target(%arg5 : memref<32x416xi32, #tpu.memory_space<vmem>>) target_semaphore(%run_scoped3A : memref<!tpu.dma_semaphore, #tpu.memory_space<semaphore_mem>>)
      %dma_wait3A_159 = arith.constant 0 : i32
      %dma_wait3A_160 = arith.constant 0 : i32
      %dma_wait3A_161 = tpu.memref_slice %arg2[%add3A, %dma_wait3A_159, %dma_wait3A_160] : memref<32x32x416xi32, #tpu.memory_space<hbm>> -> memref<1x32x416xi32, #tpu.memory_space<hbm>>
      %dma_wait3A_162 = tpu.memref_squeeze %dma_wait3A_161 : memref<1x32x416xi32, #tpu.memory_space<hbm>> -> memref<32x416xi32, #tpu.memory_space<hbm>>
      %dma_wait3A_163 = arith.constant 0 : i32
      %dma_wait3A_164 = arith.constant 0 : i32
      %dma_wait3A_165 = tpu.memref_slice %arg2[%add3A, %dma_wait3A_163, %dma_wait3A_164] : memref<32x32x416xi32, #tpu.memory_space<hbm>> -> memref<1x32x416xi32, #tpu.memory_space<hbm>>
      %dma_wait3A_166 = tpu.memref_squeeze %dma_wait3A_165 : memref<1x32x416xi32, #tpu.memory_space<hbm>> -> memref<32x416xi32, #tpu.memory_space<hbm>>
      tpu.wait_dma2 semaphore(%run_scoped3A : memref<!tpu.dma_semaphore, #tpu.memory_space<semaphore_mem>>) src(%dma_wait3A_166 : memref<32x416xi32, #tpu.memory_space<hbm>>) dst(%arg5 : memref<32x416xi32, #tpu.memory_space<vmem>>)
      tpu.yield
    }) : () -> ()
    %scan3A = arith.constant 0 : i32
    %scan3A_3 = arith.constant 0 : i32
    %scan3A_4 = arith.constant 4 : i32
    %scan3A_5 = arith.addi %scan3A_3, %scan3A_4 : i32
    %scan3A_6 = arith.constant 1 : i32
    %scan3A_7 = scf.for %scan3A_152 = %scan3A_3 to %scan3A_5 step %scan3A_6 iter_args(%scan3A_153 = %scan3A) -> (i32)  : i32 {
      %gt3A = arith.constant 0 : i32
      %gt3A_154 = arith.cmpi sgt, %scan3A_152, %gt3A : i32
      %convert_element_type3A = arith.extui %gt3A_154 : i1 to i32
      %cond3A = arith.constant 0 : i32
      %cond3A_155 = arith.cmpi ne, %convert_element_type3A, %cond3A : i32
      scf.if %cond3A_155 {
        %dma_wait3A_711 = arith.constant 0 : i32
        %dma_wait3A_712 = arith.constant 0 : i32
        %dma_wait3A_713 = arith.constant 0 : i32
        %dma_wait3A_714 = arith.constant 0 : i32
        %dma_wait3A_715 = tpu.memref_slice %arg7[%dma_wait3A_711, %dma_wait3A_713, %dma_wait3A_714] : memref<8x416x16xf32, #tpu.memory_space<vmem>> -> memref<1x416x16xf32, #tpu.memory_space<vmem>>
        %dma_wait3A_716 = tpu.memref_squeeze %dma_wait3A_715 : memref<1x416x16xf32, #tpu.memory_space<vmem>> -> memref<416x16xf32, #tpu.memory_space<vmem>>
        %dma_wait3A_717 = arith.constant 0 : i32
        %dma_wait3A_718 = arith.constant 0 : i32
        %dma_wait3A_719 = tpu.memref_slice %arg4[%dma_wait3A_717, %dma_wait3A_718] : memref<4194304x16xf32, #tpu.memory_space<hbm>> -> memref<416x16xf32, #tpu.memory_space<hbm>>
        %dma_wait3A_720 = tpu.memref_slice %arg9[%dma_wait3A_712] : memref<8x!tpu.dma_semaphore, #tpu.memory_space<semaphore_mem>> -> memref<1x!tpu.dma_semaphore, #tpu.memory_space<semaphore_mem>>
        %dma_wait3A_721 = tpu.memref_squeeze %dma_wait3A_720 : memref<1x!tpu.dma_semaphore, #tpu.memory_space<semaphore_mem>> -> memref<!tpu.dma_semaphore, #tpu.memory_space<semaphore_mem>>
        %dma_wait3A_722 = arith.constant 0 : i32
        %dma_wait3A_723 = arith.constant 0 : i32
        %dma_wait3A_724 = tpu.memref_slice %arg4[%dma_wait3A_722, %dma_wait3A_723] : memref<4194304x16xf32, #tpu.memory_space<hbm>> -> memref<416x16xf32, #tpu.memory_space<hbm>>
        %dma_wait3A_725 = arith.constant 0 : i32
        %dma_wait3A_726 = arith.constant 0 : i32
        %dma_wait3A_727 = tpu.memref_slice %arg7[%dma_wait3A_711, %dma_wait3A_725, %dma_wait3A_726] : memref<8x416x16xf32, #tpu.memory_space<vmem>> -> memref<1x416x16xf32, #tpu.memory_space<vmem>>
        %dma_wait3A_728 = tpu.memref_squeeze %dma_wait3A_727 : memref<1x416x16xf32, #tpu.memory_space<vmem>> -> memref<416x16xf32, #tpu.memory_space<vmem>>
        tpu.wait_dma2 semaphore(%dma_wait3A_721 : memref<!tpu.dma_semaphore, #tpu.memory_space<semaphore_mem>>) src(%dma_wait3A_728 : memref<416x16xf32, #tpu.memory_space<vmem>>) dst(%dma_wait3A_724 : memref<416x16xf32, #tpu.memory_space<hbm>>)
      } else {
      }
      %mul3A_156 = arith.constant 8 : i32
      %mul3A_157 = arith.muli %scan3A_152, %mul3A_156 : i32
      %add3A_158 = arith.constant 0 : i32
      %add3A_159 = arith.addi %mul3A_157, %add3A_158 : i32
      %scan3A_160 = arith.constant 0 : i32
      %scan3A_161 = arith.constant 0 : i32
      %scan3A_162 = arith.constant 26 : i32
      %scan3A_163 = arith.addi %scan3A_161, %scan3A_162 : i32
      %scan3A_164 = arith.constant 1 : i32
      %scan3A_165 = scf.for %scan3A_711 = %scan3A_161 to %scan3A_163 step %scan3A_164 iter_args(%scan3A_712 = %scan3A_160) -> (i32)  : i32 {
        %mul3A_713 = arith.constant 16 : i32
        %mul3A_714 = arith.muli %scan3A_711, %mul3A_713 : i32
        %mul3A_715 = arith.constant 416 : i32
        %mul3A_716 = arith.muli %add3A_159, %mul3A_715 : i32
        %add3A_717 = arith.addi %mul3A_2, %mul3A_716 : i32
        %add3A_718 = arith.addi %add3A_717, %mul3A_714 : i32
        %add3A_719 = vector.broadcast %add3A_718 : i32 to vector<16xi32>
        %add3A_720 = arith.addi %add3A_719, %iota3A : vector<16xi32>
        %rem3A = arith.constant 26 : i32
        %rem3A_721 = vector.broadcast %rem3A : i32 to vector<16xi32>
        %rem3A_722 = arith.remsi %add3A_720, %rem3A_721 : vector<16xi32>
        %div3A = arith.constant 26 : i32
        %div3A_723 = vector.broadcast %div3A : i32 to vector<16xi32>
        %div3A_724 = arith.divsi %add3A_720, %div3A_723 : vector<16xi32>
        %get3A = arith.constant 0 : i32
        %get3A_725 = tpu.memref_slice %arg5[%add3A_159, %get3A] : memref<32x416xi32, #tpu.memory_space<vmem>> -> memref<1x416xi32, #tpu.memory_space<vmem>>
        %get3A_726 = tpu.memref_squeeze %get3A_725 : memref<1x416xi32, #tpu.memory_space<vmem>> -> memref<416xi32, #tpu.memory_space<vmem>>
        %get3A_727 = arith.index_cast %mul3A_714 : i32 to index
        %get3A_728 = tpu.vector_load %get3A_726[%get3A_727] {strides = array<i32>} : memref<416xi32, #tpu.memory_space<vmem>>, vector<16xi32>,
        %get3A_729 = vector.shape_cast %get3A_728 : vector<16xi32> to vector<16xi32>
        %mul3A_730 = arith.constant 100000 : i32
        %mul3A_731 = vector.broadcast %mul3A_730 : i32 to vector<16xi32>
        %mul3A_732 = arith.muli %rem3A_722, %mul3A_731 : vector<16xi32>
        %add3A_733 = arith.addi %get3A_729, %mul3A_732 : vector<16xi32>
        %swap3A = arith.constant 0 : i32
        %swap3A_734 = tpu.memref_slice %arg5[%add3A_159, %swap3A] : memref<32x416xi32, #tpu.memory_space<vmem>> -> memref<1x416xi32, #tpu.memory_space<vmem>>
        %swap3A_735 = tpu.memref_squeeze %swap3A_734 : memref<1x416xi32, #tpu.memory_space<vmem>> -> memref<416xi32, #tpu.memory_space<vmem>>
        %swap3A_736 = arith.index_cast %mul3A_714 : i32 to index
        %swap3A_737 = tpu.vector_load %swap3A_735[%swap3A_736] {strides = array<i32>} : memref<416xi32, #tpu.memory_space<vmem>>, vector<16xi32>,
        %swap3A_738 = vector.shape_cast %swap3A_737 : vector<16xi32> to vector<16xi32>
        %swap3A_739 = vector.shape_cast %add3A_733 : vector<16xi32> to vector<16xi32>
        tpu.vector_store %swap3A_735[%swap3A_736], %swap3A_739 {strides = array<i32>} : memref<416xi32, #tpu.memory_space<vmem>>, vector<16xi32>,
        %mul3A_740 = arith.constant 256 : i32
        %mul3A_741 = vector.broadcast %mul3A_740 : i32 to vector<16xi32>
        %mul3A_742 = arith.muli %div3A_724, %mul3A_741 : vector<16xi32>
        %mul3A_743 = arith.constant 8 : i32
        %mul3A_744 = vector.broadcast %mul3A_743 : i32 to vector<16xi32>
        %mul3A_745 = arith.muli %rem3A_722, %mul3A_744 : vector<16xi32>
        %add3A_746 = arith.addi %mul3A_742, %mul3A_745 : vector<16xi32>
        %swap3A_747 = arith.constant 0 : i32
        %swap3A_748 = tpu.memref_slice %arg6[%add3A_159, %swap3A_747] : memref<32x416xi32, #tpu.memory_space<vmem>> -> memref<1x416xi32, #tpu.memory_space<vmem>>
        %swap3A_749 = tpu.memref_squeeze %swap3A_748 : memref<1x416xi32, #tpu.memory_space<vmem>> -> memref<416xi32, #tpu.memory_space<vmem>>
        %swap3A_750 = arith.index_cast %mul3A_714 : i32 to index
        %swap3A_751 = tpu.vector_load %swap3A_749[%swap3A_750] {strides = array<i32>} : memref<416xi32, #tpu.memory_space<vmem>>, vector<16xi32>,
        %swap3A_752 = vector.shape_cast %swap3A_751 : vector<16xi32> to vector<16xi32>
        %swap3A_753 = vector.shape_cast %add3A_746 : vector<16xi32> to vector<16xi32>
        tpu.vector_store %swap3A_749[%swap3A_750], %swap3A_753 {strides = array<i32>} : memref<416xi32, #tpu.memory_space<vmem>>, vector<16xi32>,
        %scan3A_754 = arith.constant 0 : i32
        scf.yield %scan3A_754 : i32
      }
      %scan3A_166 = arith.constant 26 : i32
      %mul3A_167 = arith.constant 8 : i32
      %mul3A_168 = arith.muli %scan3A_152, %mul3A_167 : i32
      %add3A_169 = arith.constant 0 : i32
      %add3A_170 = arith.addi %mul3A_168, %add3A_169 : i32
      %dma_start3A = arith.constant 0 : i32
      %dma_start3A_171 = arith.constant 0 : i32
      %dma_start3A_172 = arith.constant 0 : i32
      %dma_start3A_173 = arith.constant 0 : i32
      %dma_start3A_174 = tpu.memref_slice %arg7[%dma_start3A, %dma_start3A_172, %dma_start3A_173] : memref<8x416x16xf32, #tpu.memory_space<vmem>> -> memref<1x416x16xf32, #tpu.memory_space<vmem>>
      %dma_start3A_175 = tpu.memref_squeeze %dma_start3A_174 : memref<1x416x16xf32, #tpu.memory_space<vmem>> -> memref<416x16xf32, #tpu.memory_space<vmem>>
      %dma_start3A_176 = arith.constant 0 : i32
      %dma_start3A_177 = tpu.memref_slice %arg5[%add3A_170, %dma_start3A_176] : memref<32x416xi32, #tpu.memory_space<vmem>> -> memref<1x416xi32, #tpu.memory_space<vmem>>
      %dma_start3A_178 = tpu.memref_squeeze %dma_start3A_177 : memref<1x416xi32, #tpu.memory_space<vmem>> -> memref<416xi32, #tpu.memory_space<vmem>>
      %dma_start3A_179 = arith.constant 0 : i32
      %dma_start3A_180 = arith.constant 0 : i32
      %dma_start3A_181 = tpu.memref_slice %arg3[%dma_start3A_179, %dma_start3A_180] : memref<2600000x16xf32, #tpu.memory_space<hbm>> -> memref<2600000x16xf32, #tpu.memory_space<hbm>>
      %dma_start3A_182 = tpu.memref_slice %arg8[%dma_start3A_171] : memref<8x!tpu.dma_semaphore, #tpu.memory_space<semaphore_mem>> -> memref<1x!tpu.dma_semaphore, #tpu.memory_space<semaphore_mem>>
      %dma_start3A_183 = tpu.memref_squeeze %dma_start3A_182 : memref<1x!tpu.dma_semaphore, #tpu.memory_space<semaphore_mem>> -> memref<!tpu.dma_semaphore, #tpu.memory_space<semaphore_mem>>
      tpu.enqueue_indirect_dma source(%dma_start3A_181 : memref<2600000x16xf32, #tpu.memory_space<hbm>>) target(%dma_start3A_175 : memref<416x16xf32, #tpu.memory_space<vmem>>) offsets(%dma_start3A_178 : memref<416xi32, #tpu.memory_space<vmem>>) semaphore(%dma_start3A_183 : memref<!tpu.dma_semaphore, #tpu.memory_space<semaphore_mem>>)
      %gt3A_184 = arith.constant 0 : i32
      %gt3A_185 = arith.cmpi sgt, %scan3A_152, %gt3A_184 : i32
      %convert_element_type3A_186 = arith.extui %gt3A_185 : i1 to i32
      %cond3A_187 = arith.constant 0 : i32
      %cond3A_188 = arith.cmpi ne, %convert_element_type3A_186, %cond3A_187 : i32
      scf.if %cond3A_188 {
        %dma_wait3A_711 = arith.constant 1 : i32
        %dma_wait3A_712 = arith.constant 1 : i32
        %dma_wait3A_713 = arith.constant 0 : i32
        %dma_wait3A_714 = arith.constant 0 : i32
        %dma_wait3A_715 = tpu.memref_slice %arg7[%dma_wait3A_711, %dma_wait3A_713, %dma_wait3A_714] : memref<8x416x16xf32, #tpu.memory_space<vmem>> -> memref<1x416x16xf32, #tpu.memory_space<vmem>>
        %dma_wait3A_716 = tpu.memref_squeeze %dma_wait3A_715 : memref<1x416x16xf32, #tpu.memory_space<vmem>> -> memref<416x16xf32, #tpu.memory_space<vmem>>
        %dma_wait3A_717 = arith.constant 0 : i32
        %dma_wait3A_718 = arith.constant 0 : i32
        %dma_wait3A_719 = tpu.memref_slice %arg4[%dma_wait3A_717, %dma_wait3A_718] : memref<4194304x16xf32, #tpu.memory_space<hbm>> -> memref<416x16xf32, #tpu.memory_space<hbm>>
        %dma_wait3A_720 = tpu.memref_slice %arg9[%dma_wait3A_712] : memref<8x!tpu.dma_semaphore, #tpu.memory_space<semaphore_mem>> -> memref<1x!tpu.dma_semaphore, #tpu.memory_space<semaphore_mem>>
        %dma_wait3A_721 = tpu.memref_squeeze %dma_wait3A_720 : memref<1x!tpu.dma_semaphore, #tpu.memory_space<semaphore_mem>> -> memref<!tpu.dma_semaphore, #tpu.memory_space<semaphore_mem>>
        %dma_wait3A_722 = arith.constant 0 : i32
        %dma_wait3A_723 = arith.constant 0 : i32
        %dma_wait3A_724 = tpu.memref_slice %arg4[%dma_wait3A_722, %dma_wait3A_723] : memref<4194304x16xf32, #tpu.memory_space<hbm>> -> memref<416x16xf32, #tpu.memory_space<hbm>>
        %dma_wait3A_725 = arith.constant 0 : i32
        %dma_wait3A_726 = arith.constant 0 : i32
        %dma_wait3A_727 = tpu.memref_slice %arg7[%dma_wait3A_711, %dma_wait3A_725, %dma_wait3A_726] : memref<8x416x16xf32, #tpu.memory_space<vmem>> -> memref<1x416x16xf32, #tpu.memory_space<vmem>>
        %dma_wait3A_728 = tpu.memref_squeeze %dma_wait3A_727 : memref<1x416x16xf32, #tpu.memory_space<vmem>> -> memref<416x16xf32, #tpu.memory_space<vmem>>
        tpu.wait_dma2 semaphore(%dma_wait3A_721 : memref<!tpu.dma_semaphore, #tpu.memory_space<semaphore_mem>>) src(%dma_wait3A_728 : memref<416x16xf32, #tpu.memory_space<vmem>>) dst(%dma_wait3A_724 : memref<416x16xf32, #tpu.memory_space<hbm>>)
      } else {
      }
      %mul3A_189 = arith.constant 8 : i32
      %mul3A_190 = arith.muli %scan3A_152, %mul3A_189 : i32
      %add3A_191 = arith.constant 1 : i32
      %add3A_192 = arith.addi %mul3A_190, %add3A_191 : i32
      %scan3A_193 = arith.constant 0 : i32
      %scan3A_194 = arith.constant 0 : i32
      %scan3A_195 = arith.constant 26 : i32
      %scan3A_196 = arith.addi %scan3A_194, %scan3A_195 : i32
      %scan3A_197 = arith.constant 1 : i32
      %scan3A_198 = scf.for %scan3A_711 = %scan3A_194 to %scan3A_196 step %scan3A_197 iter_args(%scan3A_712 = %scan3A_193) -> (i32)  : i32 {
        %mul3A_713 = arith.constant 16 : i32
        %mul3A_714 = arith.muli %scan3A_711, %mul3A_713 : i32
        %mul3A_715 = arith.constant 416 : i32
        %mul3A_716 = arith.muli %add3A_192, %mul3A_715 : i32
        %add3A_717 = arith.addi %mul3A_2, %mul3A_716 : i32
        %add3A_718 = arith.addi %add3A_717, %mul3A_714 : i32
        %add3A_719 = vector.broadcast %add3A_718 : i32 to vector<16xi32>
        %add3A_720 = arith.addi %add3A_719, %iota3A : vector<16xi32>
        %rem3A = arith.constant 26 : i32
        %rem3A_721 = vector.broadcast %rem3A : i32 to vector<16xi32>
        %rem3A_722 = arith.remsi %add3A_720, %rem3A_721 : vector<16xi32>
        %div3A = arith.constant 26 : i32
        %div3A_723 = vector.broadcast %div3A : i32 to vector<16xi32>
        %div3A_724 = arith.divsi %add3A_720, %div3A_723 : vector<16xi32>
        %get3A = arith.constant 0 : i32
        %get3A_725 = tpu.memref_slice %arg5[%add3A_192, %get3A] : memref<32x416xi32, #tpu.memory_space<vmem>> -> memref<1x416xi32, #tpu.memory_space<vmem>>
        %get3A_726 = tpu.memref_squeeze %get3A_725 : memref<1x416xi32, #tpu.memory_space<vmem>> -> memref<416xi32, #tpu.memory_space<vmem>>
        %get3A_727 = arith.index_cast %mul3A_714 : i32 to index
        %get3A_728 = tpu.vector_load %get3A_726[%get3A_727] {strides = array<i32>} : memref<416xi32, #tpu.memory_space<vmem>>, vector<16xi32>,
        %get3A_729 = vector.shape_cast %get3A_728 : vector<16xi32> to vector<16xi32>
        %mul3A_730 = arith.constant 100000 : i32
        %mul3A_731 = vector.broadcast %mul3A_730 : i32 to vector<16xi32>
        %mul3A_732 = arith.muli %rem3A_722, %mul3A_731 : vector<16xi32>
        %add3A_733 = arith.addi %get3A_729, %mul3A_732 : vector<16xi32>
        %swap3A = arith.constant 0 : i32
        %swap3A_734 = tpu.memref_slice %arg5[%add3A_192, %swap3A] : memref<32x416xi32, #tpu.memory_space<vmem>> -> memref<1x416xi32, #tpu.memory_space<vmem>>
        %swap3A_735 = tpu.memref_squeeze %swap3A_734 : memref<1x416xi32, #tpu.memory_space<vmem>> -> memref<416xi32, #tpu.memory_space<vmem>>
        %swap3A_736 = arith.index_cast %mul3A_714 : i32 to index
        %swap3A_737 = tpu.vector_load %swap3A_735[%swap3A_736] {strides = array<i32>} : memref<416xi32, #tpu.memory_space<vmem>>, vector<16xi32>,
        %swap3A_738 = vector.shape_cast %swap3A_737 : vector<16xi32> to vector<16xi32>
        %swap3A_739 = vector.shape_cast %add3A_733 : vector<16xi32> to vector<16xi32>
        tpu.vector_store %swap3A_735[%swap3A_736], %swap3A_739 {strides = array<i32>} : memref<416xi32, #tpu.memory_space<vmem>>, vector<16xi32>,
        %mul3A_740 = arith.constant 256 : i32
        %mul3A_741 = vector.broadcast %mul3A_740 : i32 to vector<16xi32>
        %mul3A_742 = arith.muli %div3A_724, %mul3A_741 : vector<16xi32>
        %mul3A_743 = arith.constant 8 : i32
        %mul3A_744 = vector.broadcast %mul3A_743 : i32 to vector<16xi32>
        %mul3A_745 = arith.muli %rem3A_722, %mul3A_744 : vector<16xi32>
        %add3A_746 = arith.addi %mul3A_742, %mul3A_745 : vector<16xi32>
        %swap3A_747 = arith.constant 0 : i32
        %swap3A_748 = tpu.memref_slice %arg6[%add3A_192, %swap3A_747] : memref<32x416xi32, #tpu.memory_space<vmem>> -> memref<1x416xi32, #tpu.memory_space<vmem>>
        %swap3A_749 = tpu.memref_squeeze %swap3A_748 : memref<1x416xi32, #tpu.memory_space<vmem>> -> memref<416xi32, #tpu.memory_space<vmem>>
        %swap3A_750 = arith.index_cast %mul3A_714 : i32 to index
        %swap3A_751 = tpu.vector_load %swap3A_749[%swap3A_750] {strides = array<i32>} : memref<416xi32, #tpu.memory_space<vmem>>, vector<16xi32>,
        %swap3A_752 = vector.shape_cast %swap3A_751 : vector<16xi32> to vector<16xi32>
        %swap3A_753 = vector.shape_cast %add3A_746 : vector<16xi32> to vector<16xi32>
        tpu.vector_store %swap3A_749[%swap3A_750], %swap3A_753 {strides = array<i32>} : memref<416xi32, #tpu.memory_space<vmem>>, vector<16xi32>,
        %scan3A_754 = arith.constant 0 : i32
        scf.yield %scan3A_754 : i32
      }
      %scan3A_199 = arith.constant 26 : i32
      %mul3A_200 = arith.constant 8 : i32
      %mul3A_201 = arith.muli %scan3A_152, %mul3A_200 : i32
      %add3A_202 = arith.constant 1 : i32
      %add3A_203 = arith.addi %mul3A_201, %add3A_202 : i32
      %dma_start3A_204 = arith.constant 1 : i32
      %dma_start3A_205 = arith.constant 1 : i32
      %dma_start3A_206 = arith.constant 0 : i32
      %dma_start3A_207 = arith.constant 0 : i32
      %dma_start3A_208 = tpu.memref_slice %arg7[%dma_start3A_204, %dma_start3A_206, %dma_start3A_207] : memref<8x416x16xf32, #tpu.memory_space<vmem>> -> memref<1x416x16xf32, #tpu.memory_space<vmem>>
      %dma_start3A_209 = tpu.memref_squeeze %dma_start3A_208 : memref<1x416x16xf32, #tpu.memory_space<vmem>> -> memref<416x16xf32, #tpu.memory_space<vmem>>
      %dma_start3A_210 = arith.constant 0 : i32
      %dma_start3A_211 = tpu.memref_slice %arg5[%add3A_203, %dma_start3A_210] : memref<32x416xi32, #tpu.memory_space<vmem>> -> memref<1x416xi32, #tpu.memory_space<vmem>>
      %dma_start3A_212 = tpu.memref_squeeze %dma_start3A_211 : memref<1x416xi32, #tpu.memory_space<vmem>> -> memref<416xi32, #tpu.memory_space<vmem>>
      %dma_start3A_213 = arith.constant 0 : i32
      %dma_start3A_214 = arith.constant 0 : i32
      %dma_start3A_215 = tpu.memref_slice %arg3[%dma_start3A_213, %dma_start3A_214] : memref<2600000x16xf32, #tpu.memory_space<hbm>> -> memref<2600000x16xf32, #tpu.memory_space<hbm>>
      %dma_start3A_216 = tpu.memref_slice %arg8[%dma_start3A_205] : memref<8x!tpu.dma_semaphore, #tpu.memory_space<semaphore_mem>> -> memref<1x!tpu.dma_semaphore, #tpu.memory_space<semaphore_mem>>
      %dma_start3A_217 = tpu.memref_squeeze %dma_start3A_216 : memref<1x!tpu.dma_semaphore, #tpu.memory_space<semaphore_mem>> -> memref<!tpu.dma_semaphore, #tpu.memory_space<semaphore_mem>>
      tpu.enqueue_indirect_dma source(%dma_start3A_215 : memref<2600000x16xf32, #tpu.memory_space<hbm>>) target(%dma_start3A_209 : memref<416x16xf32, #tpu.memory_space<vmem>>) offsets(%dma_start3A_212 : memref<416xi32, #tpu.memory_space<vmem>>) semaphore(%dma_start3A_217 : memref<!tpu.dma_semaphore, #tpu.memory_space<semaphore_mem>>)
      %gt3A_218 = arith.constant 0 : i32
      %gt3A_219 = arith.cmpi sgt, %scan3A_152, %gt3A_218 : i32
      %convert_element_type3A_220 = arith.extui %gt3A_219 : i1 to i32
      %cond3A_221 = arith.constant 0 : i32
      %cond3A_222 = arith.cmpi ne, %convert_element_type3A_220, %cond3A_221 : i32
      scf.if %cond3A_222 {
        %dma_wait3A_711 = arith.constant 2 : i32
        %dma_wait3A_712 = arith.constant 2 : i32
        %dma_wait3A_713 = arith.constant 0 : i32
        %dma_wait3A_714 = arith.constant 0 : i32
        %dma_wait3A_715 = tpu.memref_slice %arg7[%dma_wait3A_711, %dma_wait3A_713, %dma_wait3A_714] : memref<8x416x16xf32, #tpu.memory_space<vmem>> -> memref<1x416x16xf32, #tpu.memory_space<vmem>>
        %dma_wait3A_716 = tpu.memref_squeeze %dma_wait3A_715 : memref<1x416x16xf32, #tpu.memory_space<vmem>> -> memref<416x16xf32, #tpu.memory_space<vmem>>
        %dma_wait3A_717 = arith.constant 0 : i32
        %dma_wait3A_718 = arith.constant 0 : i32
        %dma_wait3A_719 = tpu.memref_slice %arg4[%dma_wait3A_717, %dma_wait3A_718] : memref<4194304x16xf32, #tpu.memory_space<hbm>> -> memref<416x16xf32, #tpu.memory_space<hbm>>
        %dma_wait3A_720 = tpu.memref_slice %arg9[%dma_wait3A_712] : memref<8x!tpu.dma_semaphore, #tpu.memory_space<semaphore_mem>> -> memref<1x!tpu.dma_semaphore, #tpu.memory_space<semaphore_mem>>
        %dma_wait3A_721 = tpu.memref_squeeze %dma_wait3A_720 : memref<1x!tpu.dma_semaphore, #tpu.memory_space<semaphore_mem>> -> memref<!tpu.dma_semaphore, #tpu.memory_space<semaphore_mem>>
        %dma_wait3A_722 = arith.constant 0 : i32
        %dma_wait3A_723 = arith.constant 0 : i32
        %dma_wait3A_724 = tpu.memref_slice %arg4[%dma_wait3A_722, %dma_wait3A_723] : memref<4194304x16xf32, #tpu.memory_space<hbm>> -> memref<416x16xf32, #tpu.memory_space<hbm>>
        %dma_wait3A_725 = arith.constant 0 : i32
        %dma_wait3A_726 = arith.constant 0 : i32
        %dma_wait3A_727 = tpu.memref_slice %arg7[%dma_wait3A_711, %dma_wait3A_725, %dma_wait3A_726] : memref<8x416x16xf32, #tpu.memory_space<vmem>> -> memref<1x416x16xf32, #tpu.memory_space<vmem>>
        %dma_wait3A_728 = tpu.memref_squeeze %dma_wait3A_727 : memref<1x416x16xf32, #tpu.memory_space<vmem>> -> memref<416x16xf32, #tpu.memory_space<vmem>>
        tpu.wait_dma2 semaphore(%dma_wait3A_721 : memref<!tpu.dma_semaphore, #tpu.memory_space<semaphore_mem>>) src(%dma_wait3A_728 : memref<416x16xf32, #tpu.memory_space<vmem>>) dst(%dma_wait3A_724 : memref<416x16xf32, #tpu.memory_space<hbm>>)
      } else {
      }
      %mul3A_223 = arith.constant 8 : i32
      %mul3A_224 = arith.muli %scan3A_152, %mul3A_223 : i32
      %add3A_225 = arith.constant 2 : i32
      %add3A_226 = arith.addi %mul3A_224, %add3A_225 : i32
      %scan3A_227 = arith.constant 0 : i32
      %scan3A_228 = arith.constant 0 : i32
      %scan3A_229 = arith.constant 26 : i32
      %scan3A_230 = arith.addi %scan3A_228, %scan3A_229 : i32
      %scan3A_231 = arith.constant 1 : i32
      %scan3A_232 = scf.for %scan3A_711 = %scan3A_228 to %scan3A_230 step %scan3A_231 iter_args(%scan3A_712 = %scan3A_227) -> (i32)  : i32 {
        %mul3A_713 = arith.constant 16 : i32
        %mul3A_714 = arith.muli %scan3A_711, %mul3A_713 : i32
        %mul3A_715 = arith.constant 416 : i32
        %mul3A_716 = arith.muli %add3A_226, %mul3A_715 : i32
        %add3A_717 = arith.addi %mul3A_2, %mul3A_716 : i32
        %add3A_718 = arith.addi %add3A_717, %mul3A_714 : i32
        %add3A_719 = vector.broadcast %add3A_718 : i32 to vector<16xi32>
        %add3A_720 = arith.addi %add3A_719, %iota3A : vector<16xi32>
        %rem3A = arith.constant 26 : i32
        %rem3A_721 = vector.broadcast %rem3A : i32 to vector<16xi32>
        %rem3A_722 = arith.remsi %add3A_720, %rem3A_721 : vector<16xi32>
        %div3A = arith.constant 26 : i32
        %div3A_723 = vector.broadcast %div3A : i32 to vector<16xi32>
        %div3A_724 = arith.divsi %add3A_720, %div3A_723 : vector<16xi32>
        %get3A = arith.constant 0 : i32
        %get3A_725 = tpu.memref_slice %arg5[%add3A_226, %get3A] : memref<32x416xi32, #tpu.memory_space<vmem>> -> memref<1x416xi32, #tpu.memory_space<vmem>>
        %get3A_726 = tpu.memref_squeeze %get3A_725 : memref<1x416xi32, #tpu.memory_space<vmem>> -> memref<416xi32, #tpu.memory_space<vmem>>
        %get3A_727 = arith.index_cast %mul3A_714 : i32 to index
        %get3A_728 = tpu.vector_load %get3A_726[%get3A_727] {strides = array<i32>} : memref<416xi32, #tpu.memory_space<vmem>>, vector<16xi32>,
        %get3A_729 = vector.shape_cast %get3A_728 : vector<16xi32> to vector<16xi32>
        %mul3A_730 = arith.constant 100000 : i32
        %mul3A_731 = vector.broadcast %mul3A_730 : i32 to vector<16xi32>
        %mul3A_732 = arith.muli %rem3A_722, %mul3A_731 : vector<16xi32>
        %add3A_733 = arith.addi %get3A_729, %mul3A_732 : vector<16xi32>
        %swap3A = arith.constant 0 : i32
        %swap3A_734 = tpu.memref_slice %arg5[%add3A_226, %swap3A] : memref<32x416xi32, #tpu.memory_space<vmem>> -> memref<1x416xi32, #tpu.memory_space<vmem>>
        %swap3A_735 = tpu.memref_squeeze %swap3A_734 : memref<1x416xi32, #tpu.memory_space<vmem>> -> memref<416xi32, #tpu.memory_space<vmem>>
        %swap3A_736 = arith.index_cast %mul3A_714 : i32 to index
        %swap3A_737 = tpu.vector_load %swap3A_735[%swap3A_736] {strides = array<i32>} : memref<416xi32, #tpu.memory_space<vmem>>, vector<16xi32>,
        %swap3A_738 = vector.shape_cast %swap3A_737 : vector<16xi32> to vector<16xi32>
        %swap3A_739 = vector.shape_cast %add3A_733 : vector<16xi32> to vector<16xi32>
        tpu.vector_store %swap3A_735[%swap3A_736], %swap3A_739 {strides = array<i32>} : memref<416xi32, #tpu.memory_space<vmem>>, vector<16xi32>,
        %mul3A_740 = arith.constant 256 : i32
        %mul3A_741 = vector.broadcast %mul3A_740 : i32 to vector<16xi32>
        %mul3A_742 = arith.muli %div3A_724, %mul3A_741 : vector<16xi32>
        %mul3A_743 = arith.constant 8 : i32
        %mul3A_744 = vector.broadcast %mul3A_743 : i32 to vector<16xi32>
        %mul3A_745 = arith.muli %rem3A_722, %mul3A_744 : vector<16xi32>
        %add3A_746 = arith.addi %mul3A_742, %mul3A_745 : vector<16xi32>
        %swap3A_747 = arith.constant 0 : i32
        %swap3A_748 = tpu.memref_slice %arg6[%add3A_226, %swap3A_747] : memref<32x416xi32, #tpu.memory_space<vmem>> -> memref<1x416xi32, #tpu.memory_space<vmem>>
        %swap3A_749 = tpu.memref_squeeze %swap3A_748 : memref<1x416xi32, #tpu.memory_space<vmem>> -> memref<416xi32, #tpu.memory_space<vmem>>
        %swap3A_750 = arith.index_cast %mul3A_714 : i32 to index
        %swap3A_751 = tpu.vector_load %swap3A_749[%swap3A_750] {strides = array<i32>} : memref<416xi32, #tpu.memory_space<vmem>>, vector<16xi32>,
        %swap3A_752 = vector.shape_cast %swap3A_751 : vector<16xi32> to vector<16xi32>
        %swap3A_753 = vector.shape_cast %add3A_746 : vector<16xi32> to vector<16xi32>
        tpu.vector_store %swap3A_749[%swap3A_750], %swap3A_753 {strides = array<i32>} : memref<416xi32, #tpu.memory_space<vmem>>, vector<16xi32>,
        %scan3A_754 = arith.constant 0 : i32
        scf.yield %scan3A_754 : i32
      }
      %scan3A_233 = arith.constant 26 : i32
      %mul3A_234 = arith.constant 8 : i32
      %mul3A_235 = arith.muli %scan3A_152, %mul3A_234 : i32
      %add3A_236 = arith.constant 2 : i32
      %add3A_237 = arith.addi %mul3A_235, %add3A_236 : i32
      %dma_start3A_238 = arith.constant 2 : i32
      %dma_start3A_239 = arith.constant 2 : i32
      %dma_start3A_240 = arith.constant 0 : i32
      %dma_start3A_241 = arith.constant 0 : i32
      %dma_start3A_242 = tpu.memref_slice %arg7[%dma_start3A_238, %dma_start3A_240, %dma_start3A_241] : memref<8x416x16xf32, #tpu.memory_space<vmem>> -> memref<1x416x16xf32, #tpu.memory_space<vmem>>
      %dma_start3A_243 = tpu.memref_squeeze %dma_start3A_242 : memref<1x416x16xf32, #tpu.memory_space<vmem>> -> memref<416x16xf32, #tpu.memory_space<vmem>>
      %dma_start3A_244 = arith.constant 0 : i32
      %dma_start3A_245 = tpu.memref_slice %arg5[%add3A_237, %dma_start3A_244] : memref<32x416xi32, #tpu.memory_space<vmem>> -> memref<1x416xi32, #tpu.memory_space<vmem>>
      %dma_start3A_246 = tpu.memref_squeeze %dma_start3A_245 : memref<1x416xi32, #tpu.memory_space<vmem>> -> memref<416xi32, #tpu.memory_space<vmem>>
      %dma_start3A_247 = arith.constant 0 : i32
      %dma_start3A_248 = arith.constant 0 : i32
      %dma_start3A_249 = tpu.memref_slice %arg3[%dma_start3A_247, %dma_start3A_248] : memref<2600000x16xf32, #tpu.memory_space<hbm>> -> memref<2600000x16xf32, #tpu.memory_space<hbm>>
      %dma_start3A_250 = tpu.memref_slice %arg8[%dma_start3A_239] : memref<8x!tpu.dma_semaphore, #tpu.memory_space<semaphore_mem>> -> memref<1x!tpu.dma_semaphore, #tpu.memory_space<semaphore_mem>>
      %dma_start3A_251 = tpu.memref_squeeze %dma_start3A_250 : memref<1x!tpu.dma_semaphore, #tpu.memory_space<semaphore_mem>> -> memref<!tpu.dma_semaphore, #tpu.memory_space<semaphore_mem>>
      tpu.enqueue_indirect_dma source(%dma_start3A_249 : memref<2600000x16xf32, #tpu.memory_space<hbm>>) target(%dma_start3A_243 : memref<416x16xf32, #tpu.memory_space<vmem>>) offsets(%dma_start3A_246 : memref<416xi32, #tpu.memory_space<vmem>>) semaphore(%dma_start3A_251 : memref<!tpu.dma_semaphore, #tpu.memory_space<semaphore_mem>>)
      %gt3A_252 = arith.constant 0 : i32
      %gt3A_253 = arith.cmpi sgt, %scan3A_152, %gt3A_252 : i32
      %convert_element_type3A_254 = arith.extui %gt3A_253 : i1 to i32
      %cond3A_255 = arith.constant 0 : i32
      %cond3A_256 = arith.cmpi ne, %convert_element_type3A_254, %cond3A_255 : i32
      scf.if %cond3A_256 {
        %dma_wait3A_711 = arith.constant 3 : i32
        %dma_wait3A_712 = arith.constant 3 : i32
        %dma_wait3A_713 = arith.constant 0 : i32
        %dma_wait3A_714 = arith.constant 0 : i32
        %dma_wait3A_715 = tpu.memref_slice %arg7[%dma_wait3A_711, %dma_wait3A_713, %dma_wait3A_714] : memref<8x416x16xf32, #tpu.memory_space<vmem>> -> memref<1x416x16xf32, #tpu.memory_space<vmem>>
        %dma_wait3A_716 = tpu.memref_squeeze %dma_wait3A_715 : memref<1x416x16xf32, #tpu.memory_space<vmem>> -> memref<416x16xf32, #tpu.memory_space<vmem>>
        %dma_wait3A_717 = arith.constant 0 : i32
        %dma_wait3A_718 = arith.constant 0 : i32
        %dma_wait3A_719 = tpu.memref_slice %arg4[%dma_wait3A_717, %dma_wait3A_718] : memref<4194304x16xf32, #tpu.memory_space<hbm>> -> memref<416x16xf32, #tpu.memory_space<hbm>>
        %dma_wait3A_720 = tpu.memref_slice %arg9[%dma_wait3A_712] : memref<8x!tpu.dma_semaphore, #tpu.memory_space<semaphore_mem>> -> memref<1x!tpu.dma_semaphore, #tpu.memory_space<semaphore_mem>>
        %dma_wait3A_721 = tpu.memref_squeeze %dma_wait3A_720 : memref<1x!tpu.dma_semaphore, #tpu.memory_space<semaphore_mem>> -> memref<!tpu.dma_semaphore, #tpu.memory_space<semaphore_mem>>
        %dma_wait3A_722 = arith.constant 0 : i32
        %dma_wait3A_723 = arith.constant 0 : i32
        %dma_wait3A_724 = tpu.memref_slice %arg4[%dma_wait3A_722, %dma_wait3A_723] : memref<4194304x16xf32, #tpu.memory_space<hbm>> -> memref<416x16xf32, #tpu.memory_space<hbm>>
        %dma_wait3A_725 = arith.constant 0 : i32
        %dma_wait3A_726 = arith.constant 0 : i32
        %dma_wait3A_727 = tpu.memref_slice %arg7[%dma_wait3A_711, %dma_wait3A_725, %dma_wait3A_726] : memref<8x416x16xf32, #tpu.memory_space<vmem>> -> memref<1x416x16xf32, #tpu.memory_space<vmem>>
        %dma_wait3A_728 = tpu.memref_squeeze %dma_wait3A_727 : memref<1x416x16xf32, #tpu.memory_space<vmem>> -> memref<416x16xf32, #tpu.memory_space<vmem>>
        tpu.wait_dma2 semaphore(%dma_wait3A_721 : memref<!tpu.dma_semaphore, #tpu.memory_space<semaphore_mem>>) src(%dma_wait3A_728 : memref<416x16xf32, #tpu.memory_space<vmem>>) dst(%dma_wait3A_724 : memref<416x16xf32, #tpu.memory_space<hbm>>)
      } else {
      }
      %mul3A_257 = arith.constant 8 : i32
      %mul3A_258 = arith.muli %scan3A_152, %mul3A_257 : i32
      %add3A_259 = arith.constant 3 : i32
      %add3A_260 = arith.addi %mul3A_258, %add3A_259 : i32
      %scan3A_261 = arith.constant 0 : i32
      %scan3A_262 = arith.constant 0 : i32
      %scan3A_263 = arith.constant 26 : i32
      %scan3A_264 = arith.addi %scan3A_262, %scan3A_263 : i32
      %scan3A_265 = arith.constant 1 : i32
      %scan3A_266 = scf.for %scan3A_711 = %scan3A_262 to %scan3A_264 step %scan3A_265 iter_args(%scan3A_712 = %scan3A_261) -> (i32)  : i32 {
        %mul3A_713 = arith.constant 16 : i32
        %mul3A_714 = arith.muli %scan3A_711, %mul3A_713 : i32
        %mul3A_715 = arith.constant 416 : i32
        %mul3A_716 = arith.muli %add3A_260, %mul3A_715 : i32
        %add3A_717 = arith.addi %mul3A_2, %mul3A_716 : i32
        %add3A_718 = arith.addi %add3A_717, %mul3A_714 : i32
        %add3A_719 = vector.broadcast %add3A_718 : i32 to vector<16xi32>
        %add3A_720 = arith.addi %add3A_719, %iota3A : vector<16xi32>
        %rem3A = arith.constant 26 : i32
        %rem3A_721 = vector.broadcast %rem3A : i32 to vector<16xi32>
        %rem3A_722 = arith.remsi %add3A_720, %rem3A_721 : vector<16xi32>
        %div3A = arith.constant 26 : i32
        %div3A_723 = vector.broadcast %div3A : i32 to vector<16xi32>
        %div3A_724 = arith.divsi %add3A_720, %div3A_723 : vector<16xi32>
        %get3A = arith.constant 0 : i32
        %get3A_725 = tpu.memref_slice %arg5[%add3A_260, %get3A] : memref<32x416xi32, #tpu.memory_space<vmem>> -> memref<1x416xi32, #tpu.memory_space<vmem>>
        %get3A_726 = tpu.memref_squeeze %get3A_725 : memref<1x416xi32, #tpu.memory_space<vmem>> -> memref<416xi32, #tpu.memory_space<vmem>>
        %get3A_727 = arith.index_cast %mul3A_714 : i32 to index
        %get3A_728 = tpu.vector_load %get3A_726[%get3A_727] {strides = array<i32>} : memref<416xi32, #tpu.memory_space<vmem>>, vector<16xi32>,
        %get3A_729 = vector.shape_cast %get3A_728 : vector<16xi32> to vector<16xi32>
        %mul3A_730 = arith.constant 100000 : i32
        %mul3A_731 = vector.broadcast %mul3A_730 : i32 to vector<16xi32>
        %mul3A_732 = arith.muli %rem3A_722, %mul3A_731 : vector<16xi32>
        %add3A_733 = arith.addi %get3A_729, %mul3A_732 : vector<16xi32>
        %swap3A = arith.constant 0 : i32
        %swap3A_734 = tpu.memref_slice %arg5[%add3A_260, %swap3A] : memref<32x416xi32, #tpu.memory_space<vmem>> -> memref<1x416xi32, #tpu.memory_space<vmem>>
        %swap3A_735 = tpu.memref_squeeze %swap3A_734 : memref<1x416xi32, #tpu.memory_space<vmem>> -> memref<416xi32, #tpu.memory_space<vmem>>
        %swap3A_736 = arith.index_cast %mul3A_714 : i32 to index
        %swap3A_737 = tpu.vector_load %swap3A_735[%swap3A_736] {strides = array<i32>} : memref<416xi32, #tpu.memory_space<vmem>>, vector<16xi32>,
        %swap3A_738 = vector.shape_cast %swap3A_737 : vector<16xi32> to vector<16xi32>
        %swap3A_739 = vector.shape_cast %add3A_733 : vector<16xi32> to vector<16xi32>
        tpu.vector_store %swap3A_735[%swap3A_736], %swap3A_739 {strides = array<i32>} : memref<416xi32, #tpu.memory_space<vmem>>, vector<16xi32>,
        %mul3A_740 = arith.constant 256 : i32
        %mul3A_741 = vector.broadcast %mul3A_740 : i32 to vector<16xi32>
        %mul3A_742 = arith.muli %div3A_724, %mul3A_741 : vector<16xi32>
        %mul3A_743 = arith.constant 8 : i32
        %mul3A_744 = vector.broadcast %mul3A_743 : i32 to vector<16xi32>
        %mul3A_745 = arith.muli %rem3A_722, %mul3A_744 : vector<16xi32>
        %add3A_746 = arith.addi %mul3A_742, %mul3A_745 : vector<16xi32>
        %swap3A_747 = arith.constant 0 : i32
        %swap3A_748 = tpu.memref_slice %arg6[%add3A_260, %swap3A_747] : memref<32x416xi32, #tpu.memory_space<vmem>> -> memref<1x416xi32, #tpu.memory_space<vmem>>
        %swap3A_749 = tpu.memref_squeeze %swap3A_748 : memref<1x416xi32, #tpu.memory_space<vmem>> -> memref<416xi32, #tpu.memory_space<vmem>>
        %swap3A_750 = arith.index_cast %mul3A_714 : i32 to index
        %swap3A_751 = tpu.vector_load %swap3A_749[%swap3A_750] {strides = array<i32>} : memref<416xi32, #tpu.memory_space<vmem>>, vector<16xi32>,
        %swap3A_752 = vector.shape_cast %swap3A_751 : vector<16xi32> to vector<16xi32>
        %swap3A_753 = vector.shape_cast %add3A_746 : vector<16xi32> to vector<16xi32>
        tpu.vector_store %swap3A_749[%swap3A_750], %swap3A_753 {strides = array<i32>} : memref<416xi32, #tpu.memory_space<vmem>>, vector<16xi32>,
        %scan3A_754 = arith.constant 0 : i32
        scf.yield %scan3A_754 : i32
      }
      %scan3A_267 = arith.constant 26 : i32
      %mul3A_268 = arith.constant 8 : i32
      %mul3A_269 = arith.muli %scan3A_152, %mul3A_268 : i32
      %add3A_270 = arith.constant 3 : i32
      %add3A_271 = arith.addi %mul3A_269, %add3A_270 : i32
      %dma_start3A_272 = arith.constant 3 : i32
      %dma_start3A_273 = arith.constant 3 : i32
      %dma_start3A_274 = arith.constant 0 : i32
      %dma_start3A_275 = arith.constant 0 : i32
      %dma_start3A_276 = tpu.memref_slice %arg7[%dma_start3A_272, %dma_start3A_274, %dma_start3A_275] : memref<8x416x16xf32, #tpu.memory_space<vmem>> -> memref<1x416x16xf32, #tpu.memory_space<vmem>>
      %dma_start3A_277 = tpu.memref_squeeze %dma_start3A_276 : memref<1x416x16xf32, #tpu.memory_space<vmem>> -> memref<416x16xf32, #tpu.memory_space<vmem>>
      %dma_start3A_278 = arith.constant 0 : i32
      %dma_start3A_279 = tpu.memref_slice %arg5[%add3A_271, %dma_start3A_278] : memref<32x416xi32, #tpu.memory_space<vmem>> -> memref<1x416xi32, #tpu.memory_space<vmem>>
      %dma_start3A_280 = tpu.memref_squeeze %dma_start3A_279 : memref<1x416xi32, #tpu.memory_space<vmem>> -> memref<416xi32, #tpu.memory_space<vmem>>
      %dma_start3A_281 = arith.constant 0 : i32
      %dma_start3A_282 = arith.constant 0 : i32
      %dma_start3A_283 = tpu.memref_slice %arg3[%dma_start3A_281, %dma_start3A_282] : memref<2600000x16xf32, #tpu.memory_space<hbm>> -> memref<2600000x16xf32, #tpu.memory_space<hbm>>
      %dma_start3A_284 = tpu.memref_slice %arg8[%dma_start3A_273] : memref<8x!tpu.dma_semaphore, #tpu.memory_space<semaphore_mem>> -> memref<1x!tpu.dma_semaphore, #tpu.memory_space<semaphore_mem>>
      %dma_start3A_285 = tpu.memref_squeeze %dma_start3A_284 : memref<1x!tpu.dma_semaphore, #tpu.memory_space<semaphore_mem>> -> memref<!tpu.dma_semaphore, #tpu.memory_space<semaphore_mem>>
      tpu.enqueue_indirect_dma source(%dma_start3A_283 : memref<2600000x16xf32, #tpu.memory_space<hbm>>) target(%dma_start3A_277 : memref<416x16xf32, #tpu.memory_space<vmem>>) offsets(%dma_start3A_280 : memref<416xi32, #tpu.memory_space<vmem>>) semaphore(%dma_start3A_285 : memref<!tpu.dma_semaphore, #tpu.memory_space<semaphore_mem>>)
      %gt3A_286 = arith.constant 0 : i32
      %gt3A_287 = arith.cmpi sgt, %scan3A_152, %gt3A_286 : i32
      %convert_element_type3A_288 = arith.extui %gt3A_287 : i1 to i32
      %cond3A_289 = arith.constant 0 : i32
      %cond3A_290 = arith.cmpi ne, %convert_element_type3A_288, %cond3A_289 : i32
      scf.if %cond3A_290 {
        %dma_wait3A_711 = arith.constant 4 : i32
        %dma_wait3A_712 = arith.constant 4 : i32
        %dma_wait3A_713 = arith.constant 0 : i32
        %dma_wait3A_714 = arith.constant 0 : i32
        %dma_wait3A_715 = tpu.memref_slice %arg7[%dma_wait3A_711, %dma_wait3A_713, %dma_wait3A_714] : memref<8x416x16xf32, #tpu.memory_space<vmem>> -> memref<1x416x16xf32, #tpu.memory_space<vmem>>
        %dma_wait3A_716 = tpu.memref_squeeze %dma_wait3A_715 : memref<1x416x16xf32, #tpu.memory_space<vmem>> -> memref<416x16xf32, #tpu.memory_space<vmem>>
        %dma_wait3A_717 = arith.constant 0 : i32
        %dma_wait3A_718 = arith.constant 0 : i32
        %dma_wait3A_719 = tpu.memref_slice %arg4[%dma_wait3A_717, %dma_wait3A_718] : memref<4194304x16xf32, #tpu.memory_space<hbm>> -> memref<416x16xf32, #tpu.memory_space<hbm>>
        %dma_wait3A_720 = tpu.memref_slice %arg9[%dma_wait3A_712] : memref<8x!tpu.dma_semaphore, #tpu.memory_space<semaphore_mem>> -> memref<1x!tpu.dma_semaphore, #tpu.memory_space<semaphore_mem>>
        %dma_wait3A_721 = tpu.memref_squeeze %dma_wait3A_720 : memref<1x!tpu.dma_semaphore, #tpu.memory_space<semaphore_mem>> -> memref<!tpu.dma_semaphore, #tpu.memory_space<semaphore_mem>>
        %dma_wait3A_722 = arith.constant 0 : i32
        %dma_wait3A_723 = arith.constant 0 : i32
        %dma_wait3A_724 = tpu.memref_slice %arg4[%dma_wait3A_722, %dma_wait3A_723] : memref<4194304x16xf32, #tpu.memory_space<hbm>> -> memref<416x16xf32, #tpu.memory_space<hbm>>
        %dma_wait3A_725 = arith.constant 0 : i32
        %dma_wait3A_726 = arith.constant 0 : i32
        %dma_wait3A_727 = tpu.memref_slice %arg7[%dma_wait3A_711, %dma_wait3A_725, %dma_wait3A_726] : memref<8x416x16xf32, #tpu.memory_space<vmem>> -> memref<1x416x16xf32, #tpu.memory_space<vmem>>
        %dma_wait3A_728 = tpu.memref_squeeze %dma_wait3A_727 : memref<1x416x16xf32, #tpu.memory_space<vmem>> -> memref<416x16xf32, #tpu.memory_space<vmem>>
        tpu.wait_dma2 semaphore(%dma_wait3A_721 : memref<!tpu.dma_semaphore, #tpu.memory_space<semaphore_mem>>) src(%dma_wait3A_728 : memref<416x16xf32, #tpu.memory_space<vmem>>) dst(%dma_wait3A_724 : memref<416x16xf32, #tpu.memory_space<hbm>>)
      } else {
      }
      %mul3A_291 = arith.constant 8 : i32
      %mul3A_292 = arith.muli %scan3A_152, %mul3A_291 : i32
      %add3A_293 = arith.constant 4 : i32
      %add3A_294 = arith.addi %mul3A_292, %add3A_293 : i32
      %scan3A_295 = arith.constant 0 : i32
      %scan3A_296 = arith.constant 0 : i32
      %scan3A_297 = arith.constant 26 : i32
      %scan3A_298 = arith.addi %scan3A_296, %scan3A_297 : i32
      %scan3A_299 = arith.constant 1 : i32
      %scan3A_300 = scf.for %scan3A_711 = %scan3A_296 to %scan3A_298 step %scan3A_299 iter_args(%scan3A_712 = %scan3A_295) -> (i32)  : i32 {
        %mul3A_713 = arith.constant 16 : i32
        %mul3A_714 = arith.muli %scan3A_711, %mul3A_713 : i32
        %mul3A_715 = arith.constant 416 : i32
        %mul3A_716 = arith.muli %add3A_294, %mul3A_715 : i32
        %add3A_717 = arith.addi %mul3A_2, %mul3A_716 : i32
        %add3A_718 = arith.addi %add3A_717, %mul3A_714 : i32
        %add3A_719 = vector.broadcast %add3A_718 : i32 to vector<16xi32>
        %add3A_720 = arith.addi %add3A_719, %iota3A : vector<16xi32>
        %rem3A = arith.constant 26 : i32
        %rem3A_721 = vector.broadcast %rem3A : i32 to vector<16xi32>
        %rem3A_722 = arith.remsi %add3A_720, %rem3A_721 : vector<16xi32>
        %div3A = arith.constant 26 : i32
        %div3A_723 = vector.broadcast %div3A : i32 to vector<16xi32>
        %div3A_724 = arith.divsi %add3A_720, %div3A_723 : vector<16xi32>
        %get3A = arith.constant 0 : i32
        %get3A_725 = tpu.memref_slice %arg5[%add3A_294, %get3A] : memref<32x416xi32, #tpu.memory_space<vmem>> -> memref<1x416xi32, #tpu.memory_space<vmem>>
        %get3A_726 = tpu.memref_squeeze %get3A_725 : memref<1x416xi32, #tpu.memory_space<vmem>> -> memref<416xi32, #tpu.memory_space<vmem>>
        %get3A_727 = arith.index_cast %mul3A_714 : i32 to index
        %get3A_728 = tpu.vector_load %get3A_726[%get3A_727] {strides = array<i32>} : memref<416xi32, #tpu.memory_space<vmem>>, vector<16xi32>,
        %get3A_729 = vector.shape_cast %get3A_728 : vector<16xi32> to vector<16xi32>
        %mul3A_730 = arith.constant 100000 : i32
        %mul3A_731 = vector.broadcast %mul3A_730 : i32 to vector<16xi32>
        %mul3A_732 = arith.muli %rem3A_722, %mul3A_731 : vector<16xi32>
        %add3A_733 = arith.addi %get3A_729, %mul3A_732 : vector<16xi32>
        %swap3A = arith.constant 0 : i32
        %swap3A_734 = tpu.memref_slice %arg5[%add3A_294, %swap3A] : memref<32x416xi32, #tpu.memory_space<vmem>> -> memref<1x416xi32, #tpu.memory_space<vmem>>
        %swap3A_735 = tpu.memref_squeeze %swap3A_734 : memref<1x416xi32, #tpu.memory_space<vmem>> -> memref<416xi32, #tpu.memory_space<vmem>>
        %swap3A_736 = arith.index_cast %mul3A_714 : i32 to index
        %swap3A_737 = tpu.vector_load %swap3A_735[%swap3A_736] {strides = array<i32>} : memref<416xi32, #tpu.memory_space<vmem>>, vector<16xi32>,
        %swap3A_738 = vector.shape_cast %swap3A_737 : vector<16xi32> to vector<16xi32>
        %swap3A_739 = vector.shape_cast %add3A_733 : vector<16xi32> to vector<16xi32>
        tpu.vector_store %swap3A_735[%swap3A_736], %swap3A_739 {strides = array<i32>} : memref<416xi32, #tpu.memory_space<vmem>>, vector<16xi32>,
        %mul3A_740 = arith.constant 256 : i32
        %mul3A_741 = vector.broadcast %mul3A_740 : i32 to vector<16xi32>
        %mul3A_742 = arith.muli %div3A_724, %mul3A_741 : vector<16xi32>
        %mul3A_743 = arith.constant 8 : i32
        %mul3A_744 = vector.broadcast %mul3A_743 : i32 to vector<16xi32>
        %mul3A_745 = arith.muli %rem3A_722, %mul3A_744 : vector<16xi32>
        %add3A_746 = arith.addi %mul3A_742, %mul3A_745 : vector<16xi32>
        %swap3A_747 = arith.constant 0 : i32
        %swap3A_748 = tpu.memref_slice %arg6[%add3A_294, %swap3A_747] : memref<32x416xi32, #tpu.memory_space<vmem>> -> memref<1x416xi32, #tpu.memory_space<vmem>>
        %swap3A_749 = tpu.memref_squeeze %swap3A_748 : memref<1x416xi32, #tpu.memory_space<vmem>> -> memref<416xi32, #tpu.memory_space<vmem>>
        %swap3A_750 = arith.index_cast %mul3A_714 : i32 to index
        %swap3A_751 = tpu.vector_load %swap3A_749[%swap3A_750] {strides = array<i32>} : memref<416xi32, #tpu.memory_space<vmem>>, vector<16xi32>,
        %swap3A_752 = vector.shape_cast %swap3A_751 : vector<16xi32> to vector<16xi32>
        %swap3A_753 = vector.shape_cast %add3A_746 : vector<16xi32> to vector<16xi32>
        tpu.vector_store %swap3A_749[%swap3A_750], %swap3A_753 {strides = array<i32>} : memref<416xi32, #tpu.memory_space<vmem>>, vector<16xi32>,
        %scan3A_754 = arith.constant 0 : i32
        scf.yield %scan3A_754 : i32
      }
      %scan3A_301 = arith.constant 26 : i32
      %mul3A_302 = arith.constant 8 : i32
      %mul3A_303 = arith.muli %scan3A_152, %mul3A_302 : i32
      %add3A_304 = arith.constant 4 : i32
      %add3A_305 = arith.addi %mul3A_303, %add3A_304 : i32
      %dma_start3A_306 = arith.constant 4 : i32
      %dma_start3A_307 = arith.constant 4 : i32
      %dma_start3A_308 = arith.constant 0 : i32
      %dma_start3A_309 = arith.constant 0 : i32
      %dma_start3A_310 = tpu.memref_slice %arg7[%dma_start3A_306, %dma_start3A_308, %dma_start3A_309] : memref<8x416x16xf32, #tpu.memory_space<vmem>> -> memref<1x416x16xf32, #tpu.memory_space<vmem>>
      %dma_start3A_311 = tpu.memref_squeeze %dma_start3A_310 : memref<1x416x16xf32, #tpu.memory_space<vmem>> -> memref<416x16xf32, #tpu.memory_space<vmem>>
      %dma_start3A_312 = arith.constant 0 : i32
      %dma_start3A_313 = tpu.memref_slice %arg5[%add3A_305, %dma_start3A_312] : memref<32x416xi32, #tpu.memory_space<vmem>> -> memref<1x416xi32, #tpu.memory_space<vmem>>
      %dma_start3A_314 = tpu.memref_squeeze %dma_start3A_313 : memref<1x416xi32, #tpu.memory_space<vmem>> -> memref<416xi32, #tpu.memory_space<vmem>>
      %dma_start3A_315 = arith.constant 0 : i32
      %dma_start3A_316 = arith.constant 0 : i32
      %dma_start3A_317 = tpu.memref_slice %arg3[%dma_start3A_315, %dma_start3A_316] : memref<2600000x16xf32, #tpu.memory_space<hbm>> -> memref<2600000x16xf32, #tpu.memory_space<hbm>>
      %dma_start3A_318 = tpu.memref_slice %arg8[%dma_start3A_307] : memref<8x!tpu.dma_semaphore, #tpu.memory_space<semaphore_mem>> -> memref<1x!tpu.dma_semaphore, #tpu.memory_space<semaphore_mem>>
      %dma_start3A_319 = tpu.memref_squeeze %dma_start3A_318 : memref<1x!tpu.dma_semaphore, #tpu.memory_space<semaphore_mem>> -> memref<!tpu.dma_semaphore, #tpu.memory_space<semaphore_mem>>
      tpu.enqueue_indirect_dma source(%dma_start3A_317 : memref<2600000x16xf32, #tpu.memory_space<hbm>>) target(%dma_start3A_311 : memref<416x16xf32, #tpu.memory_space<vmem>>) offsets(%dma_start3A_314 : memref<416xi32, #tpu.memory_space<vmem>>) semaphore(%dma_start3A_319 : memref<!tpu.dma_semaphore, #tpu.memory_space<semaphore_mem>>)
      %gt3A_320 = arith.constant 0 : i32
      %gt3A_321 = arith.cmpi sgt, %scan3A_152, %gt3A_320 : i32
      %convert_element_type3A_322 = arith.extui %gt3A_321 : i1 to i32
      %cond3A_323 = arith.constant 0 : i32
      %cond3A_324 = arith.cmpi ne, %convert_element_type3A_322, %cond3A_323 : i32
      scf.if %cond3A_324 {
        %dma_wait3A_711 = arith.constant 5 : i32
        %dma_wait3A_712 = arith.constant 5 : i32
        %dma_wait3A_713 = arith.constant 0 : i32
        %dma_wait3A_714 = arith.constant 0 : i32
        %dma_wait3A_715 = tpu.memref_slice %arg7[%dma_wait3A_711, %dma_wait3A_713, %dma_wait3A_714] : memref<8x416x16xf32, #tpu.memory_space<vmem>> -> memref<1x416x16xf32, #tpu.memory_space<vmem>>
        %dma_wait3A_716 = tpu.memref_squeeze %dma_wait3A_715 : memref<1x416x16xf32, #tpu.memory_space<vmem>> -> memref<416x16xf32, #tpu.memory_space<vmem>>
        %dma_wait3A_717 = arith.constant 0 : i32
        %dma_wait3A_718 = arith.constant 0 : i32
        %dma_wait3A_719 = tpu.memref_slice %arg4[%dma_wait3A_717, %dma_wait3A_718] : memref<4194304x16xf32, #tpu.memory_space<hbm>> -> memref<416x16xf32, #tpu.memory_space<hbm>>
        %dma_wait3A_720 = tpu.memref_slice %arg9[%dma_wait3A_712] : memref<8x!tpu.dma_semaphore, #tpu.memory_space<semaphore_mem>> -> memref<1x!tpu.dma_semaphore, #tpu.memory_space<semaphore_mem>>
        %dma_wait3A_721 = tpu.memref_squeeze %dma_wait3A_720 : memref<1x!tpu.dma_semaphore, #tpu.memory_space<semaphore_mem>> -> memref<!tpu.dma_semaphore, #tpu.memory_space<semaphore_mem>>
        %dma_wait3A_722 = arith.constant 0 : i32
        %dma_wait3A_723 = arith.constant 0 : i32
        %dma_wait3A_724 = tpu.memref_slice %arg4[%dma_wait3A_722, %dma_wait3A_723] : memref<4194304x16xf32, #tpu.memory_space<hbm>> -> memref<416x16xf32, #tpu.memory_space<hbm>>
        %dma_wait3A_725 = arith.constant 0 : i32
        %dma_wait3A_726 = arith.constant 0 : i32
        %dma_wait3A_727 = tpu.memref_slice %arg7[%dma_wait3A_711, %dma_wait3A_725, %dma_wait3A_726] : memref<8x416x16xf32, #tpu.memory_space<vmem>> -> memref<1x416x16xf32, #tpu.memory_space<vmem>>
        %dma_wait3A_728 = tpu.memref_squeeze %dma_wait3A_727 : memref<1x416x16xf32, #tpu.memory_space<vmem>> -> memref<416x16xf32, #tpu.memory_space<vmem>>
        tpu.wait_dma2 semaphore(%dma_wait3A_721 : memref<!tpu.dma_semaphore, #tpu.memory_space<semaphore_mem>>) src(%dma_wait3A_728 : memref<416x16xf32, #tpu.memory_space<vmem>>) dst(%dma_wait3A_724 : memref<416x16xf32, #tpu.memory_space<hbm>>)
      } else {
      }
      %mul3A_325 = arith.constant 8 : i32
      %mul3A_326 = arith.muli %scan3A_152, %mul3A_325 : i32
      %add3A_327 = arith.constant 5 : i32
      %add3A_328 = arith.addi %mul3A_326, %add3A_327 : i32
      %scan3A_329 = arith.constant 0 : i32
      %scan3A_330 = arith.constant 0 : i32
      %scan3A_331 = arith.constant 26 : i32
      %scan3A_332 = arith.addi %scan3A_330, %scan3A_331 : i32
      %scan3A_333 = arith.constant 1 : i32
      %scan3A_334 = scf.for %scan3A_711 = %scan3A_330 to %scan3A_332 step %scan3A_333 iter_args(%scan3A_712 = %scan3A_329) -> (i32)  : i32 {
        %mul3A_713 = arith.constant 16 : i32
        %mul3A_714 = arith.muli %scan3A_711, %mul3A_713 : i32
        %mul3A_715 = arith.constant 416 : i32
        %mul3A_716 = arith.muli %add3A_328, %mul3A_715 : i32
        %add3A_717 = arith.addi %mul3A_2, %mul3A_716 : i32
        %add3A_718 = arith.addi %add3A_717, %mul3A_714 : i32
        %add3A_719 = vector.broadcast %add3A_718 : i32 to vector<16xi32>
        %add3A_720 = arith.addi %add3A_719, %iota3A : vector<16xi32>
        %rem3A = arith.constant 26 : i32
        %rem3A_721 = vector.broadcast %rem3A : i32 to vector<16xi32>
        %rem3A_722 = arith.remsi %add3A_720, %rem3A_721 : vector<16xi32>
        %div3A = arith.constant 26 : i32
        %div3A_723 = vector.broadcast %div3A : i32 to vector<16xi32>
        %div3A_724 = arith.divsi %add3A_720, %div3A_723 : vector<16xi32>
        %get3A = arith.constant 0 : i32
        %get3A_725 = tpu.memref_slice %arg5[%add3A_328, %get3A] : memref<32x416xi32, #tpu.memory_space<vmem>> -> memref<1x416xi32, #tpu.memory_space<vmem>>
        %get3A_726 = tpu.memref_squeeze %get3A_725 : memref<1x416xi32, #tpu.memory_space<vmem>> -> memref<416xi32, #tpu.memory_space<vmem>>
        %get3A_727 = arith.index_cast %mul3A_714 : i32 to index
        %get3A_728 = tpu.vector_load %get3A_726[%get3A_727] {strides = array<i32>} : memref<416xi32, #tpu.memory_space<vmem>>, vector<16xi32>,
        %get3A_729 = vector.shape_cast %get3A_728 : vector<16xi32> to vector<16xi32>
        %mul3A_730 = arith.constant 100000 : i32
        %mul3A_731 = vector.broadcast %mul3A_730 : i32 to vector<16xi32>
        %mul3A_732 = arith.muli %rem3A_722, %mul3A_731 : vector<16xi32>
        %add3A_733 = arith.addi %get3A_729, %mul3A_732 : vector<16xi32>
        %swap3A = arith.constant 0 : i32
        %swap3A_734 = tpu.memref_slice %arg5[%add3A_328, %swap3A] : memref<32x416xi32, #tpu.memory_space<vmem>> -> memref<1x416xi32, #tpu.memory_space<vmem>>
        %swap3A_735 = tpu.memref_squeeze %swap3A_734 : memref<1x416xi32, #tpu.memory_space<vmem>> -> memref<416xi32, #tpu.memory_space<vmem>>
        %swap3A_736 = arith.index_cast %mul3A_714 : i32 to index
        %swap3A_737 = tpu.vector_load %swap3A_735[%swap3A_736] {strides = array<i32>} : memref<416xi32, #tpu.memory_space<vmem>>, vector<16xi32>,
        %swap3A_738 = vector.shape_cast %swap3A_737 : vector<16xi32> to vector<16xi32>
        %swap3A_739 = vector.shape_cast %add3A_733 : vector<16xi32> to vector<16xi32>
        tpu.vector_store %swap3A_735[%swap3A_736], %swap3A_739 {strides = array<i32>} : memref<416xi32, #tpu.memory_space<vmem>>, vector<16xi32>,
        %mul3A_740 = arith.constant 256 : i32
        %mul3A_741 = vector.broadcast %mul3A_740 : i32 to vector<16xi32>
        %mul3A_742 = arith.muli %div3A_724, %mul3A_741 : vector<16xi32>
        %mul3A_743 = arith.constant 8 : i32
        %mul3A_744 = vector.broadcast %mul3A_743 : i32 to vector<16xi32>
        %mul3A_745 = arith.muli %rem3A_722, %mul3A_744 : vector<16xi32>
        %add3A_746 = arith.addi %mul3A_742, %mul3A_745 : vector<16xi32>
        %swap3A_747 = arith.constant 0 : i32
        %swap3A_748 = tpu.memref_slice %arg6[%add3A_328, %swap3A_747] : memref<32x416xi32, #tpu.memory_space<vmem>> -> memref<1x416xi32, #tpu.memory_space<vmem>>
        %swap3A_749 = tpu.memref_squeeze %swap3A_748 : memref<1x416xi32, #tpu.memory_space<vmem>> -> memref<416xi32, #tpu.memory_space<vmem>>
        %swap3A_750 = arith.index_cast %mul3A_714 : i32 to index
        %swap3A_751 = tpu.vector_load %swap3A_749[%swap3A_750] {strides = array<i32>} : memref<416xi32, #tpu.memory_space<vmem>>, vector<16xi32>,
        %swap3A_752 = vector.shape_cast %swap3A_751 : vector<16xi32> to vector<16xi32>
        %swap3A_753 = vector.shape_cast %add3A_746 : vector<16xi32> to vector<16xi32>
        tpu.vector_store %swap3A_749[%swap3A_750], %swap3A_753 {strides = array<i32>} : memref<416xi32, #tpu.memory_space<vmem>>, vector<16xi32>,
        %scan3A_754 = arith.constant 0 : i32
        scf.yield %scan3A_754 : i32
      }
      %scan3A_335 = arith.constant 26 : i32
      %mul3A_336 = arith.constant 8 : i32
      %mul3A_337 = arith.muli %scan3A_152, %mul3A_336 : i32
      %add3A_338 = arith.constant 5 : i32
      %add3A_339 = arith.addi %mul3A_337, %add3A_338 : i32
      %dma_start3A_340 = arith.constant 5 : i32
      %dma_start3A_341 = arith.constant 5 : i32
      %dma_start3A_342 = arith.constant 0 : i32
      %dma_start3A_343 = arith.constant 0 : i32
      %dma_start3A_344 = tpu.memref_slice %arg7[%dma_start3A_340, %dma_start3A_342, %dma_start3A_343] : memref<8x416x16xf32, #tpu.memory_space<vmem>> -> memref<1x416x16xf32, #tpu.memory_space<vmem>>
      %dma_start3A_345 = tpu.memref_squeeze %dma_start3A_344 : memref<1x416x16xf32, #tpu.memory_space<vmem>> -> memref<416x16xf32, #tpu.memory_space<vmem>>
      %dma_start3A_346 = arith.constant 0 : i32
      %dma_start3A_347 = tpu.memref_slice %arg5[%add3A_339, %dma_start3A_346] : memref<32x416xi32, #tpu.memory_space<vmem>> -> memref<1x416xi32, #tpu.memory_space<vmem>>
      %dma_start3A_348 = tpu.memref_squeeze %dma_start3A_347 : memref<1x416xi32, #tpu.memory_space<vmem>> -> memref<416xi32, #tpu.memory_space<vmem>>
      %dma_start3A_349 = arith.constant 0 : i32
      %dma_start3A_350 = arith.constant 0 : i32
      %dma_start3A_351 = tpu.memref_slice %arg3[%dma_start3A_349, %dma_start3A_350] : memref<2600000x16xf32, #tpu.memory_space<hbm>> -> memref<2600000x16xf32, #tpu.memory_space<hbm>>
      %dma_start3A_352 = tpu.memref_slice %arg8[%dma_start3A_341] : memref<8x!tpu.dma_semaphore, #tpu.memory_space<semaphore_mem>> -> memref<1x!tpu.dma_semaphore, #tpu.memory_space<semaphore_mem>>
      %dma_start3A_353 = tpu.memref_squeeze %dma_start3A_352 : memref<1x!tpu.dma_semaphore, #tpu.memory_space<semaphore_mem>> -> memref<!tpu.dma_semaphore, #tpu.memory_space<semaphore_mem>>
      tpu.enqueue_indirect_dma source(%dma_start3A_351 : memref<2600000x16xf32, #tpu.memory_space<hbm>>) target(%dma_start3A_345 : memref<416x16xf32, #tpu.memory_space<vmem>>) offsets(%dma_start3A_348 : memref<416xi32, #tpu.memory_space<vmem>>) semaphore(%dma_start3A_353 : memref<!tpu.dma_semaphore, #tpu.memory_space<semaphore_mem>>)
      %gt3A_354 = arith.constant 0 : i32
      %gt3A_355 = arith.cmpi sgt, %scan3A_152, %gt3A_354 : i32
      %convert_element_type3A_356 = arith.extui %gt3A_355 : i1 to i32
      %cond3A_357 = arith.constant 0 : i32
      %cond3A_358 = arith.cmpi ne, %convert_element_type3A_356, %cond3A_357 : i32
      scf.if %cond3A_358 {
        %dma_wait3A_711 = arith.constant 6 : i32
        %dma_wait3A_712 = arith.constant 6 : i32
        %dma_wait3A_713 = arith.constant 0 : i32
        %dma_wait3A_714 = arith.constant 0 : i32
        %dma_wait3A_715 = tpu.memref_slice %arg7[%dma_wait3A_711, %dma_wait3A_713, %dma_wait3A_714] : memref<8x416x16xf32, #tpu.memory_space<vmem>> -> memref<1x416x16xf32, #tpu.memory_space<vmem>>
        %dma_wait3A_716 = tpu.memref_squeeze %dma_wait3A_715 : memref<1x416x16xf32, #tpu.memory_space<vmem>> -> memref<416x16xf32, #tpu.memory_space<vmem>>
        %dma_wait3A_717 = arith.constant 0 : i32
        %dma_wait3A_718 = arith.constant 0 : i32
        %dma_wait3A_719 = tpu.memref_slice %arg4[%dma_wait3A_717, %dma_wait3A_718] : memref<4194304x16xf32, #tpu.memory_space<hbm>> -> memref<416x16xf32, #tpu.memory_space<hbm>>
        %dma_wait3A_720 = tpu.memref_slice %arg9[%dma_wait3A_712] : memref<8x!tpu.dma_semaphore, #tpu.memory_space<semaphore_mem>> -> memref<1x!tpu.dma_semaphore, #tpu.memory_space<semaphore_mem>>
        %dma_wait3A_721 = tpu.memref_squeeze %dma_wait3A_720 : memref<1x!tpu.dma_semaphore, #tpu.memory_space<semaphore_mem>> -> memref<!tpu.dma_semaphore, #tpu.memory_space<semaphore_mem>>
        %dma_wait3A_722 = arith.constant 0 : i32
        %dma_wait3A_723 = arith.constant 0 : i32
        %dma_wait3A_724 = tpu.memref_slice %arg4[%dma_wait3A_722, %dma_wait3A_723] : memref<4194304x16xf32, #tpu.memory_space<hbm>> -> memref<416x16xf32, #tpu.memory_space<hbm>>
        %dma_wait3A_725 = arith.constant 0 : i32
        %dma_wait3A_726 = arith.constant 0 : i32
        %dma_wait3A_727 = tpu.memref_slice %arg7[%dma_wait3A_711, %dma_wait3A_725, %dma_wait3A_726] : memref<8x416x16xf32, #tpu.memory_space<vmem>> -> memref<1x416x16xf32, #tpu.memory_space<vmem>>
        %dma_wait3A_728 = tpu.memref_squeeze %dma_wait3A_727 : memref<1x416x16xf32, #tpu.memory_space<vmem>> -> memref<416x16xf32, #tpu.memory_space<vmem>>
        tpu.wait_dma2 semaphore(%dma_wait3A_721 : memref<!tpu.dma_semaphore, #tpu.memory_space<semaphore_mem>>) src(%dma_wait3A_728 : memref<416x16xf32, #tpu.memory_space<vmem>>) dst(%dma_wait3A_724 : memref<416x16xf32, #tpu.memory_space<hbm>>)
      } else {
      }
      %mul3A_359 = arith.constant 8 : i32
      %mul3A_360 = arith.muli %scan3A_152, %mul3A_359 : i32
      %add3A_361 = arith.constant 6 : i32
      %add3A_362 = arith.addi %mul3A_360, %add3A_361 : i32
      %scan3A_363 = arith.constant 0 : i32
      %scan3A_364 = arith.constant 0 : i32
      %scan3A_365 = arith.constant 26 : i32
      %scan3A_366 = arith.addi %scan3A_364, %scan3A_365 : i32
      %scan3A_367 = arith.constant 1 : i32
      %scan3A_368 = scf.for %scan3A_711 = %scan3A_364 to %scan3A_366 step %scan3A_367 iter_args(%scan3A_712 = %scan3A_363) -> (i32)  : i32 {
        %mul3A_713 = arith.constant 16 : i32
        %mul3A_714 = arith.muli %scan3A_711, %mul3A_713 : i32
        %mul3A_715 = arith.constant 416 : i32
        %mul3A_716 = arith.muli %add3A_362, %mul3A_715 : i32
        %add3A_717 = arith.addi %mul3A_2, %mul3A_716 : i32
        %add3A_718 = arith.addi %add3A_717, %mul3A_714 : i32
        %add3A_719 = vector.broadcast %add3A_718 : i32 to vector<16xi32>
        %add3A_720 = arith.addi %add3A_719, %iota3A : vector<16xi32>
        %rem3A = arith.constant 26 : i32
        %rem3A_721 = vector.broadcast %rem3A : i32 to vector<16xi32>
        %rem3A_722 = arith.remsi %add3A_720, %rem3A_721 : vector<16xi32>
        %div3A = arith.constant 26 : i32
        %div3A_723 = vector.broadcast %div3A : i32 to vector<16xi32>
        %div3A_724 = arith.divsi %add3A_720, %div3A_723 : vector<16xi32>
        %get3A = arith.constant 0 : i32
        %get3A_725 = tpu.memref_slice %arg5[%add3A_362, %get3A] : memref<32x416xi32, #tpu.memory_space<vmem>> -> memref<1x416xi32, #tpu.memory_space<vmem>>
        %get3A_726 = tpu.memref_squeeze %get3A_725 : memref<1x416xi32, #tpu.memory_space<vmem>> -> memref<416xi32, #tpu.memory_space<vmem>>
        %get3A_727 = arith.index_cast %mul3A_714 : i32 to index
        %get3A_728 = tpu.vector_load %get3A_726[%get3A_727] {strides = array<i32>} : memref<416xi32, #tpu.memory_space<vmem>>, vector<16xi32>,
        %get3A_729 = vector.shape_cast %get3A_728 : vector<16xi32> to vector<16xi32>
        %mul3A_730 = arith.constant 100000 : i32
        %mul3A_731 = vector.broadcast %mul3A_730 : i32 to vector<16xi32>
        %mul3A_732 = arith.muli %rem3A_722, %mul3A_731 : vector<16xi32>
        %add3A_733 = arith.addi %get3A_729, %mul3A_732 : vector<16xi32>
        %swap3A = arith.constant 0 : i32
        %swap3A_734 = tpu.memref_slice %arg5[%add3A_362, %swap3A] : memref<32x416xi32, #tpu.memory_space<vmem>> -> memref<1x416xi32, #tpu.memory_space<vmem>>
        %swap3A_735 = tpu.memref_squeeze %swap3A_734 : memref<1x416xi32, #tpu.memory_space<vmem>> -> memref<416xi32, #tpu.memory_space<vmem>>
        %swap3A_736 = arith.index_cast %mul3A_714 : i32 to index
        %swap3A_737 = tpu.vector_load %swap3A_735[%swap3A_736] {strides = array<i32>} : memref<416xi32, #tpu.memory_space<vmem>>, vector<16xi32>,
        %swap3A_738 = vector.shape_cast %swap3A_737 : vector<16xi32> to vector<16xi32>
        %swap3A_739 = vector.shape_cast %add3A_733 : vector<16xi32> to vector<16xi32>
        tpu.vector_store %swap3A_735[%swap3A_736], %swap3A_739 {strides = array<i32>} : memref<416xi32, #tpu.memory_space<vmem>>, vector<16xi32>,
        %mul3A_740 = arith.constant 256 : i32
        %mul3A_741 = vector.broadcast %mul3A_740 : i32 to vector<16xi32>
        %mul3A_742 = arith.muli %div3A_724, %mul3A_741 : vector<16xi32>
        %mul3A_743 = arith.constant 8 : i32
        %mul3A_744 = vector.broadcast %mul3A_743 : i32 to vector<16xi32>
        %mul3A_745 = arith.muli %rem3A_722, %mul3A_744 : vector<16xi32>
        %add3A_746 = arith.addi %mul3A_742, %mul3A_745 : vector<16xi32>
        %swap3A_747 = arith.constant 0 : i32
        %swap3A_748 = tpu.memref_slice %arg6[%add3A_362, %swap3A_747] : memref<32x416xi32, #tpu.memory_space<vmem>> -> memref<1x416xi32, #tpu.memory_space<vmem>>
        %swap3A_749 = tpu.memref_squeeze %swap3A_748 : memref<1x416xi32, #tpu.memory_space<vmem>> -> memref<416xi32, #tpu.memory_space<vmem>>
        %swap3A_750 = arith.index_cast %mul3A_714 : i32 to index
        %swap3A_751 = tpu.vector_load %swap3A_749[%swap3A_750] {strides = array<i32>} : memref<416xi32, #tpu.memory_space<vmem>>, vector<16xi32>,
        %swap3A_752 = vector.shape_cast %swap3A_751 : vector<16xi32> to vector<16xi32>
        %swap3A_753 = vector.shape_cast %add3A_746 : vector<16xi32> to vector<16xi32>
        tpu.vector_store %swap3A_749[%swap3A_750], %swap3A_753 {strides = array<i32>} : memref<416xi32, #tpu.memory_space<vmem>>, vector<16xi32>,
        %scan3A_754 = arith.constant 0 : i32
        scf.yield %scan3A_754 : i32
      }
      %scan3A_369 = arith.constant 26 : i32
      %mul3A_370 = arith.constant 8 : i32
      %mul3A_371 = arith.muli %scan3A_152, %mul3A_370 : i32
      %add3A_372 = arith.constant 6 : i32
      %add3A_373 = arith.addi %mul3A_371, %add3A_372 : i32
      %dma_start3A_374 = arith.constant 6 : i32
      %dma_start3A_375 = arith.constant 6 : i32
      %dma_start3A_376 = arith.constant 0 : i32
      %dma_start3A_377 = arith.constant 0 : i32
      %dma_start3A_378 = tpu.memref_slice %arg7[%dma_start3A_374, %dma_start3A_376, %dma_start3A_377] : memref<8x416x16xf32, #tpu.memory_space<vmem>> -> memref<1x416x16xf32, #tpu.memory_space<vmem>>
      %dma_start3A_379 = tpu.memref_squeeze %dma_start3A_378 : memref<1x416x16xf32, #tpu.memory_space<vmem>> -> memref<416x16xf32, #tpu.memory_space<vmem>>
      %dma_start3A_380 = arith.constant 0 : i32
      %dma_start3A_381 = tpu.memref_slice %arg5[%add3A_373, %dma_start3A_380] : memref<32x416xi32, #tpu.memory_space<vmem>> -> memref<1x416xi32, #tpu.memory_space<vmem>>
      %dma_start3A_382 = tpu.memref_squeeze %dma_start3A_381 : memref<1x416xi32, #tpu.memory_space<vmem>> -> memref<416xi32, #tpu.memory_space<vmem>>
      %dma_start3A_383 = arith.constant 0 : i32
      %dma_start3A_384 = arith.constant 0 : i32
      %dma_start3A_385 = tpu.memref_slice %arg3[%dma_start3A_383, %dma_start3A_384] : memref<2600000x16xf32, #tpu.memory_space<hbm>> -> memref<2600000x16xf32, #tpu.memory_space<hbm>>
      %dma_start3A_386 = tpu.memref_slice %arg8[%dma_start3A_375] : memref<8x!tpu.dma_semaphore, #tpu.memory_space<semaphore_mem>> -> memref<1x!tpu.dma_semaphore, #tpu.memory_space<semaphore_mem>>
      %dma_start3A_387 = tpu.memref_squeeze %dma_start3A_386 : memref<1x!tpu.dma_semaphore, #tpu.memory_space<semaphore_mem>> -> memref<!tpu.dma_semaphore, #tpu.memory_space<semaphore_mem>>
      tpu.enqueue_indirect_dma source(%dma_start3A_385 : memref<2600000x16xf32, #tpu.memory_space<hbm>>) target(%dma_start3A_379 : memref<416x16xf32, #tpu.memory_space<vmem>>) offsets(%dma_start3A_382 : memref<416xi32, #tpu.memory_space<vmem>>) semaphore(%dma_start3A_387 : memref<!tpu.dma_semaphore, #tpu.memory_space<semaphore_mem>>)
      %gt3A_388 = arith.constant 0 : i32
      %gt3A_389 = arith.cmpi sgt, %scan3A_152, %gt3A_388 : i32
      %convert_element_type3A_390 = arith.extui %gt3A_389 : i1 to i32
      %cond3A_391 = arith.constant 0 : i32
      %cond3A_392 = arith.cmpi ne, %convert_element_type3A_390, %cond3A_391 : i32
      scf.if %cond3A_392 {
        %dma_wait3A_711 = arith.constant 7 : i32
        %dma_wait3A_712 = arith.constant 7 : i32
        %dma_wait3A_713 = arith.constant 0 : i32
        %dma_wait3A_714 = arith.constant 0 : i32
        %dma_wait3A_715 = tpu.memref_slice %arg7[%dma_wait3A_711, %dma_wait3A_713, %dma_wait3A_714] : memref<8x416x16xf32, #tpu.memory_space<vmem>> -> memref<1x416x16xf32, #tpu.memory_space<vmem>>
        %dma_wait3A_716 = tpu.memref_squeeze %dma_wait3A_715 : memref<1x416x16xf32, #tpu.memory_space<vmem>> -> memref<416x16xf32, #tpu.memory_space<vmem>>
        %dma_wait3A_717 = arith.constant 0 : i32
        %dma_wait3A_718 = arith.constant 0 : i32
        %dma_wait3A_719 = tpu.memref_slice %arg4[%dma_wait3A_717, %dma_wait3A_718] : memref<4194304x16xf32, #tpu.memory_space<hbm>> -> memref<416x16xf32, #tpu.memory_space<hbm>>
        %dma_wait3A_720 = tpu.memref_slice %arg9[%dma_wait3A_712] : memref<8x!tpu.dma_semaphore, #tpu.memory_space<semaphore_mem>> -> memref<1x!tpu.dma_semaphore, #tpu.memory_space<semaphore_mem>>
        %dma_wait3A_721 = tpu.memref_squeeze %dma_wait3A_720 : memref<1x!tpu.dma_semaphore, #tpu.memory_space<semaphore_mem>> -> memref<!tpu.dma_semaphore, #tpu.memory_space<semaphore_mem>>
        %dma_wait3A_722 = arith.constant 0 : i32
        %dma_wait3A_723 = arith.constant 0 : i32
        %dma_wait3A_724 = tpu.memref_slice %arg4[%dma_wait3A_722, %dma_wait3A_723] : memref<4194304x16xf32, #tpu.memory_space<hbm>> -> memref<416x16xf32, #tpu.memory_space<hbm>>
        %dma_wait3A_725 = arith.constant 0 : i32
        %dma_wait3A_726 = arith.constant 0 : i32
        %dma_wait3A_727 = tpu.memref_slice %arg7[%dma_wait3A_711, %dma_wait3A_725, %dma_wait3A_726] : memref<8x416x16xf32, #tpu.memory_space<vmem>> -> memref<1x416x16xf32, #tpu.memory_space<vmem>>
        %dma_wait3A_728 = tpu.memref_squeeze %dma_wait3A_727 : memref<1x416x16xf32, #tpu.memory_space<vmem>> -> memref<416x16xf32, #tpu.memory_space<vmem>>
        tpu.wait_dma2 semaphore(%dma_wait3A_721 : memref<!tpu.dma_semaphore, #tpu.memory_space<semaphore_mem>>) src(%dma_wait3A_728 : memref<416x16xf32, #tpu.memory_space<vmem>>) dst(%dma_wait3A_724 : memref<416x16xf32, #tpu.memory_space<hbm>>)
      } else {
      }
      %mul3A_393 = arith.constant 8 : i32
      %mul3A_394 = arith.muli %scan3A_152, %mul3A_393 : i32
      %add3A_395 = arith.constant 7 : i32
      %add3A_396 = arith.addi %mul3A_394, %add3A_395 : i32
      %scan3A_397 = arith.constant 0 : i32
      %scan3A_398 = arith.constant 0 : i32
      %scan3A_399 = arith.constant 26 : i32
      %scan3A_400 = arith.addi %scan3A_398, %scan3A_399 : i32
      %scan3A_401 = arith.constant 1 : i32
      %scan3A_402 = scf.for %scan3A_711 = %scan3A_398 to %scan3A_400 step %scan3A_401 iter_args(%scan3A_712 = %scan3A_397) -> (i32)  : i32 {
        %mul3A_713 = arith.constant 16 : i32
        %mul3A_714 = arith.muli %scan3A_711, %mul3A_713 : i32
        %mul3A_715 = arith.constant 416 : i32
        %mul3A_716 = arith.muli %add3A_396, %mul3A_715 : i32
        %add3A_717 = arith.addi %mul3A_2, %mul3A_716 : i32
        %add3A_718 = arith.addi %add3A_717, %mul3A_714 : i32
        %add3A_719 = vector.broadcast %add3A_718 : i32 to vector<16xi32>
        %add3A_720 = arith.addi %add3A_719, %iota3A : vector<16xi32>
        %rem3A = arith.constant 26 : i32
        %rem3A_721 = vector.broadcast %rem3A : i32 to vector<16xi32>
        %rem3A_722 = arith.remsi %add3A_720, %rem3A_721 : vector<16xi32>
        %div3A = arith.constant 26 : i32
        %div3A_723 = vector.broadcast %div3A : i32 to vector<16xi32>
        %div3A_724 = arith.divsi %add3A_720, %div3A_723 : vector<16xi32>
        %get3A = arith.constant 0 : i32
        %get3A_725 = tpu.memref_slice %arg5[%add3A_396, %get3A] : memref<32x416xi32, #tpu.memory_space<vmem>> -> memref<1x416xi32, #tpu.memory_space<vmem>>
        %get3A_726 = tpu.memref_squeeze %get3A_725 : memref<1x416xi32, #tpu.memory_space<vmem>> -> memref<416xi32, #tpu.memory_space<vmem>>
        %get3A_727 = arith.index_cast %mul3A_714 : i32 to index
        %get3A_728 = tpu.vector_load %get3A_726[%get3A_727] {strides = array<i32>} : memref<416xi32, #tpu.memory_space<vmem>>, vector<16xi32>,
        %get3A_729 = vector.shape_cast %get3A_728 : vector<16xi32> to vector<16xi32>
        %mul3A_730 = arith.constant 100000 : i32
        %mul3A_731 = vector.broadcast %mul3A_730 : i32 to vector<16xi32>
        %mul3A_732 = arith.muli %rem3A_722, %mul3A_731 : vector<16xi32>
        %add3A_733 = arith.addi %get3A_729, %mul3A_732 : vector<16xi32>
        %swap3A = arith.constant 0 : i32
        %swap3A_734 = tpu.memref_slice %arg5[%add3A_396, %swap3A] : memref<32x416xi32, #tpu.memory_space<vmem>> -> memref<1x416xi32, #tpu.memory_space<vmem>>
        %swap3A_735 = tpu.memref_squeeze %swap3A_734 : memref<1x416xi32, #tpu.memory_space<vmem>> -> memref<416xi32, #tpu.memory_space<vmem>>
        %swap3A_736 = arith.index_cast %mul3A_714 : i32 to index
        %swap3A_737 = tpu.vector_load %swap3A_735[%swap3A_736] {strides = array<i32>} : memref<416xi32, #tpu.memory_space<vmem>>, vector<16xi32>,
        %swap3A_738 = vector.shape_cast %swap3A_737 : vector<16xi32> to vector<16xi32>
        %swap3A_739 = vector.shape_cast %add3A_733 : vector<16xi32> to vector<16xi32>
        tpu.vector_store %swap3A_735[%swap3A_736], %swap3A_739 {strides = array<i32>} : memref<416xi32, #tpu.memory_space<vmem>>, vector<16xi32>,
        %mul3A_740 = arith.constant 256 : i32
        %mul3A_741 = vector.broadcast %mul3A_740 : i32 to vector<16xi32>
        %mul3A_742 = arith.muli %div3A_724, %mul3A_741 : vector<16xi32>
        %mul3A_743 = arith.constant 8 : i32
        %mul3A_744 = vector.broadcast %mul3A_743 : i32 to vector<16xi32>
        %mul3A_745 = arith.muli %rem3A_722, %mul3A_744 : vector<16xi32>
        %add3A_746 = arith.addi %mul3A_742, %mul3A_745 : vector<16xi32>
        %swap3A_747 = arith.constant 0 : i32
        %swap3A_748 = tpu.memref_slice %arg6[%add3A_396, %swap3A_747] : memref<32x416xi32, #tpu.memory_space<vmem>> -> memref<1x416xi32, #tpu.memory_space<vmem>>
        %swap3A_749 = tpu.memref_squeeze %swap3A_748 : memref<1x416xi32, #tpu.memory_space<vmem>> -> memref<416xi32, #tpu.memory_space<vmem>>
        %swap3A_750 = arith.index_cast %mul3A_714 : i32 to index
        %swap3A_751 = tpu.vector_load %swap3A_749[%swap3A_750] {strides = array<i32>} : memref<416xi32, #tpu.memory_space<vmem>>, vector<16xi32>,
        %swap3A_752 = vector.shape_cast %swap3A_751 : vector<16xi32> to vector<16xi32>
        %swap3A_753 = vector.shape_cast %add3A_746 : vector<16xi32> to vector<16xi32>
        tpu.vector_store %swap3A_749[%swap3A_750], %swap3A_753 {strides = array<i32>} : memref<416xi32, #tpu.memory_space<vmem>>, vector<16xi32>,
        %scan3A_754 = arith.constant 0 : i32
        scf.yield %scan3A_754 : i32
      }
      %scan3A_403 = arith.constant 26 : i32
      %mul3A_404 = arith.constant 8 : i32
      %mul3A_405 = arith.muli %scan3A_152, %mul3A_404 : i32
      %add3A_406 = arith.constant 7 : i32
      %add3A_407 = arith.addi %mul3A_405, %add3A_406 : i32
      %dma_start3A_408 = arith.constant 7 : i32
      %dma_start3A_409 = arith.constant 7 : i32
      %dma_start3A_410 = arith.constant 0 : i32
      %dma_start3A_411 = arith.constant 0 : i32
      %dma_start3A_412 = tpu.memref_slice %arg7[%dma_start3A_408, %dma_start3A_410, %dma_start3A_411] : memref<8x416x16xf32, #tpu.memory_space<vmem>> -> memref<1x416x16xf32, #tpu.memory_space<vmem>>
      %dma_start3A_413 = tpu.memref_squeeze %dma_start3A_412 : memref<1x416x16xf32, #tpu.memory_space<vmem>> -> memref<416x16xf32, #tpu.memory_space<vmem>>
      %dma_start3A_414 = arith.constant 0 : i32
      %dma_start3A_415 = tpu.memref_slice %arg5[%add3A_407, %dma_start3A_414] : memref<32x416xi32, #tpu.memory_space<vmem>> -> memref<1x416xi32, #tpu.memory_space<vmem>>
      %dma_start3A_416 = tpu.memref_squeeze %dma_start3A_415 : memref<1x416xi32, #tpu.memory_space<vmem>> -> memref<416xi32, #tpu.memory_space<vmem>>
      %dma_start3A_417 = arith.constant 0 : i32
      %dma_start3A_418 = arith.constant 0 : i32
      %dma_start3A_419 = tpu.memref_slice %arg3[%dma_start3A_417, %dma_start3A_418] : memref<2600000x16xf32, #tpu.memory_space<hbm>> -> memref<2600000x16xf32, #tpu.memory_space<hbm>>
      %dma_start3A_420 = tpu.memref_slice %arg8[%dma_start3A_409] : memref<8x!tpu.dma_semaphore, #tpu.memory_space<semaphore_mem>> -> memref<1x!tpu.dma_semaphore, #tpu.memory_space<semaphore_mem>>
      %dma_start3A_421 = tpu.memref_squeeze %dma_start3A_420 : memref<1x!tpu.dma_semaphore, #tpu.memory_space<semaphore_mem>> -> memref<!tpu.dma_semaphore, #tpu.memory_space<semaphore_mem>>
      tpu.enqueue_indirect_dma source(%dma_start3A_419 : memref<2600000x16xf32, #tpu.memory_space<hbm>>) target(%dma_start3A_413 : memref<416x16xf32, #tpu.memory_space<vmem>>) offsets(%dma_start3A_416 : memref<416xi32, #tpu.memory_space<vmem>>) semaphore(%dma_start3A_421 : memref<!tpu.dma_semaphore, #tpu.memory_space<semaphore_mem>>)
      %dma_wait3A_422 = arith.constant 0 : i32
      %dma_wait3A_423 = arith.constant 0 : i32
      %dma_wait3A_424 = arith.constant 0 : i32
      %dma_wait3A_425 = arith.constant 0 : i32
      %dma_wait3A_426 = tpu.memref_slice %arg7[%dma_wait3A_422, %dma_wait3A_424, %dma_wait3A_425] : memref<8x416x16xf32, #tpu.memory_space<vmem>> -> memref<1x416x16xf32, #tpu.memory_space<vmem>>
      %dma_wait3A_427 = tpu.memref_squeeze %dma_wait3A_426 : memref<1x416x16xf32, #tpu.memory_space<vmem>> -> memref<416x16xf32, #tpu.memory_space<vmem>>
      %dma_wait3A_428 = arith.constant 0 : i32
      %dma_wait3A_429 = arith.constant 0 : i32
      %dma_wait3A_430 = tpu.memref_slice %arg4[%dma_wait3A_428, %dma_wait3A_429] : memref<4194304x16xf32, #tpu.memory_space<hbm>> -> memref<416x16xf32, #tpu.memory_space<hbm>>
      %dma_wait3A_431 = tpu.memref_slice %arg8[%dma_wait3A_423] : memref<8x!tpu.dma_semaphore, #tpu.memory_space<semaphore_mem>> -> memref<1x!tpu.dma_semaphore, #tpu.memory_space<semaphore_mem>>
      %dma_wait3A_432 = tpu.memref_squeeze %dma_wait3A_431 : memref<1x!tpu.dma_semaphore, #tpu.memory_space<semaphore_mem>> -> memref<!tpu.dma_semaphore, #tpu.memory_space<semaphore_mem>>
      %dma_wait3A_433 = arith.constant 0 : i32
      %dma_wait3A_434 = arith.constant 0 : i32
      %dma_wait3A_435 = tpu.memref_slice %arg7[%dma_wait3A_422, %dma_wait3A_433, %dma_wait3A_434] : memref<8x416x16xf32, #tpu.memory_space<vmem>> -> memref<1x416x16xf32, #tpu.memory_space<vmem>>
      %dma_wait3A_436 = tpu.memref_squeeze %dma_wait3A_435 : memref<1x416x16xf32, #tpu.memory_space<vmem>> -> memref<416x16xf32, #tpu.memory_space<vmem>>
      %dma_wait3A_437 = arith.constant 0 : i32
      %dma_wait3A_438 = arith.constant 0 : i32
      %dma_wait3A_439 = tpu.memref_slice %arg4[%dma_wait3A_437, %dma_wait3A_438] : memref<4194304x16xf32, #tpu.memory_space<hbm>> -> memref<416x16xf32, #tpu.memory_space<hbm>>
      tpu.wait_dma2 semaphore(%dma_wait3A_432 : memref<!tpu.dma_semaphore, #tpu.memory_space<semaphore_mem>>) src(%dma_wait3A_439 : memref<416x16xf32, #tpu.memory_space<hbm>>) dst(%dma_wait3A_436 : memref<416x16xf32, #tpu.memory_space<vmem>>)
      %mul3A_440 = arith.constant 8 : i32
      %mul3A_441 = arith.muli %scan3A_152, %mul3A_440 : i32
      %add3A_442 = arith.constant 0 : i32
      %add3A_443 = arith.addi %mul3A_441, %add3A_442 : i32
      %dma_start3A_444 = arith.constant 0 : i32
      %dma_start3A_445 = arith.constant 0 : i32
      %dma_start3A_446 = arith.constant 0 : i32
      %dma_start3A_447 = arith.constant 0 : i32
      %dma_start3A_448 = tpu.memref_slice %arg7[%dma_start3A_444, %dma_start3A_446, %dma_start3A_447] : memref<8x416x16xf32, #tpu.memory_space<vmem>> -> memref<1x416x16xf32, #tpu.memory_space<vmem>>
      %dma_start3A_449 = tpu.memref_squeeze %dma_start3A_448 : memref<1x416x16xf32, #tpu.memory_space<vmem>> -> memref<416x16xf32, #tpu.memory_space<vmem>>
      %dma_start3A_450 = arith.constant 0 : i32
      %dma_start3A_451 = tpu.memref_slice %arg6[%add3A_443, %dma_start3A_450] : memref<32x416xi32, #tpu.memory_space<vmem>> -> memref<1x416xi32, #tpu.memory_space<vmem>>
      %dma_start3A_452 = tpu.memref_squeeze %dma_start3A_451 : memref<1x416xi32, #tpu.memory_space<vmem>> -> memref<416xi32, #tpu.memory_space<vmem>>
      %dma_start3A_453 = arith.constant 0 : i32
      %dma_start3A_454 = arith.constant 0 : i32
      %dma_start3A_455 = tpu.memref_slice %arg4[%dma_start3A_453, %dma_start3A_454] : memref<4194304x16xf32, #tpu.memory_space<hbm>> -> memref<4194304x16xf32, #tpu.memory_space<hbm>>
      %dma_start3A_456 = tpu.memref_slice %arg9[%dma_start3A_445] : memref<8x!tpu.dma_semaphore, #tpu.memory_space<semaphore_mem>> -> memref<1x!tpu.dma_semaphore, #tpu.memory_space<semaphore_mem>>
      %dma_start3A_457 = tpu.memref_squeeze %dma_start3A_456 : memref<1x!tpu.dma_semaphore, #tpu.memory_space<semaphore_mem>> -> memref<!tpu.dma_semaphore, #tpu.memory_space<semaphore_mem>>
      tpu.enqueue_indirect_dma source(%dma_start3A_449 : memref<416x16xf32, #tpu.memory_space<vmem>>) target(%dma_start3A_455 : memref<4194304x16xf32, #tpu.memory_space<hbm>>) offsets(%dma_start3A_452 : memref<416xi32, #tpu.memory_space<vmem>>) semaphore(%dma_start3A_457 : memref<!tpu.dma_semaphore, #tpu.memory_space<semaphore_mem>>)
      %dma_wait3A_458 = arith.constant 1 : i32
      %dma_wait3A_459 = arith.constant 1 : i32
      %dma_wait3A_460 = arith.constant 0 : i32
      %dma_wait3A_461 = arith.constant 0 : i32
      %dma_wait3A_462 = tpu.memref_slice %arg7[%dma_wait3A_458, %dma_wait3A_460, %dma_wait3A_461] : memref<8x416x16xf32, #tpu.memory_space<vmem>> -> memref<1x416x16xf32, #tpu.memory_space<vmem>>
      %dma_wait3A_463 = tpu.memref_squeeze %dma_wait3A_462 : memref<1x416x16xf32, #tpu.memory_space<vmem>> -> memref<416x16xf32, #tpu.memory_space<vmem>>
      %dma_wait3A_464 = arith.constant 0 : i32
      %dma_wait3A_465 = arith.constant 0 : i32
      %dma_wait3A_466 = tpu.memref_slice %arg4[%dma_wait3A_464, %dma_wait3A_465] : memref<4194304x16xf32, #tpu.memory_space<hbm>> -> memref<416x16xf32, #tpu.memory_space<hbm>>
      %dma_wait3A_467 = tpu.memref_slice %arg8[%dma_wait3A_459] : memref<8x!tpu.dma_semaphore, #tpu.memory_space<semaphore_mem>> -> memref<1x!tpu.dma_semaphore, #tpu.memory_space<semaphore_mem>>
      %dma_wait3A_468 = tpu.memref_squeeze %dma_wait3A_467 : memref<1x!tpu.dma_semaphore, #tpu.memory_space<semaphore_mem>> -> memref<!tpu.dma_semaphore, #tpu.memory_space<semaphore_mem>>
      %dma_wait3A_469 = arith.constant 0 : i32
      %dma_wait3A_470 = arith.constant 0 : i32
      %dma_wait3A_471 = tpu.memref_slice %arg7[%dma_wait3A_458, %dma_wait3A_469, %dma_wait3A_470] : memref<8x416x16xf32, #tpu.memory_space<vmem>> -> memref<1x416x16xf32, #tpu.memory_space<vmem>>
      %dma_wait3A_472 = tpu.memref_squeeze %dma_wait3A_471 : memref<1x416x16xf32, #tpu.memory_space<vmem>> -> memref<416x16xf32, #tpu.memory_space<vmem>>
      %dma_wait3A_473 = arith.constant 0 : i32
      %dma_wait3A_474 = arith.constant 0 : i32
      %dma_wait3A_475 = tpu.memref_slice %arg4[%dma_wait3A_473, %dma_wait3A_474] : memref<4194304x16xf32, #tpu.memory_space<hbm>> -> memref<416x16xf32, #tpu.memory_space<hbm>>
      tpu.wait_dma2 semaphore(%dma_wait3A_468 : memref<!tpu.dma_semaphore, #tpu.memory_space<semaphore_mem>>) src(%dma_wait3A_475 : memref<416x16xf32, #tpu.memory_space<hbm>>) dst(%dma_wait3A_472 : memref<416x16xf32, #tpu.memory_space<vmem>>)
      %mul3A_476 = arith.constant 8 : i32
      %mul3A_477 = arith.muli %scan3A_152, %mul3A_476 : i32
      %add3A_478 = arith.constant 1 : i32
      %add3A_479 = arith.addi %mul3A_477, %add3A_478 : i32
      %dma_start3A_480 = arith.constant 1 : i32
      %dma_start3A_481 = arith.constant 1 : i32
      %dma_start3A_482 = arith.constant 0 : i32
      %dma_start3A_483 = arith.constant 0 : i32
      %dma_start3A_484 = tpu.memref_slice %arg7[%dma_start3A_480, %dma_start3A_482, %dma_start3A_483] : memref<8x416x16xf32, #tpu.memory_space<vmem>> -> memref<1x416x16xf32, #tpu.memory_space<vmem>>
      %dma_start3A_485 = tpu.memref_squeeze %dma_start3A_484 : memref<1x416x16xf32, #tpu.memory_space<vmem>> -> memref<416x16xf32, #tpu.memory_space<vmem>>
      %dma_start3A_486 = arith.constant 0 : i32
      %dma_start3A_487 = tpu.memref_slice %arg6[%add3A_479, %dma_start3A_486] : memref<32x416xi32, #tpu.memory_space<vmem>> -> memref<1x416xi32, #tpu.memory_space<vmem>>
      %dma_start3A_488 = tpu.memref_squeeze %dma_start3A_487 : memref<1x416xi32, #tpu.memory_space<vmem>> -> memref<416xi32, #tpu.memory_space<vmem>>
      %dma_start3A_489 = arith.constant 0 : i32
      %dma_start3A_490 = arith.constant 0 : i32
      %dma_start3A_491 = tpu.memref_slice %arg4[%dma_start3A_489, %dma_start3A_490] : memref<4194304x16xf32, #tpu.memory_space<hbm>> -> memref<4194304x16xf32, #tpu.memory_space<hbm>>
      %dma_start3A_492 = tpu.memref_slice %arg9[%dma_start3A_481] : memref<8x!tpu.dma_semaphore, #tpu.memory_space<semaphore_mem>> -> memref<1x!tpu.dma_semaphore, #tpu.memory_space<semaphore_mem>>
      %dma_start3A_493 = tpu.memref_squeeze %dma_start3A_492 : memref<1x!tpu.dma_semaphore, #tpu.memory_space<semaphore_mem>> -> memref<!tpu.dma_semaphore, #tpu.memory_space<semaphore_mem>>
      tpu.enqueue_indirect_dma source(%dma_start3A_485 : memref<416x16xf32, #tpu.memory_space<vmem>>) target(%dma_start3A_491 : memref<4194304x16xf32, #tpu.memory_space<hbm>>) offsets(%dma_start3A_488 : memref<416xi32, #tpu.memory_space<vmem>>) semaphore(%dma_start3A_493 : memref<!tpu.dma_semaphore, #tpu.memory_space<semaphore_mem>>)
      %dma_wait3A_494 = arith.constant 2 : i32
      %dma_wait3A_495 = arith.constant 2 : i32
      %dma_wait3A_496 = arith.constant 0 : i32
      %dma_wait3A_497 = arith.constant 0 : i32
      %dma_wait3A_498 = tpu.memref_slice %arg7[%dma_wait3A_494, %dma_wait3A_496, %dma_wait3A_497] : memref<8x416x16xf32, #tpu.memory_space<vmem>> -> memref<1x416x16xf32, #tpu.memory_space<vmem>>
      %dma_wait3A_499 = tpu.memref_squeeze %dma_wait3A_498 : memref<1x416x16xf32, #tpu.memory_space<vmem>> -> memref<416x16xf32, #tpu.memory_space<vmem>>
      %dma_wait3A_500 = arith.constant 0 : i32
      %dma_wait3A_501 = arith.constant 0 : i32
      %dma_wait3A_502 = tpu.memref_slice %arg4[%dma_wait3A_500, %dma_wait3A_501] : memref<4194304x16xf32, #tpu.memory_space<hbm>> -> memref<416x16xf32, #tpu.memory_space<hbm>>
      %dma_wait3A_503 = tpu.memref_slice %arg8[%dma_wait3A_495] : memref<8x!tpu.dma_semaphore, #tpu.memory_space<semaphore_mem>> -> memref<1x!tpu.dma_semaphore, #tpu.memory_space<semaphore_mem>>
      %dma_wait3A_504 = tpu.memref_squeeze %dma_wait3A_503 : memref<1x!tpu.dma_semaphore, #tpu.memory_space<semaphore_mem>> -> memref<!tpu.dma_semaphore, #tpu.memory_space<semaphore_mem>>
      %dma_wait3A_505 = arith.constant 0 : i32
      %dma_wait3A_506 = arith.constant 0 : i32
      %dma_wait3A_507 = tpu.memref_slice %arg7[%dma_wait3A_494, %dma_wait3A_505, %dma_wait3A_506] : memref<8x416x16xf32, #tpu.memory_space<vmem>> -> memref<1x416x16xf32, #tpu.memory_space<vmem>>
      %dma_wait3A_508 = tpu.memref_squeeze %dma_wait3A_507 : memref<1x416x16xf32, #tpu.memory_space<vmem>> -> memref<416x16xf32, #tpu.memory_space<vmem>>
      %dma_wait3A_509 = arith.constant 0 : i32
      %dma_wait3A_510 = arith.constant 0 : i32
      %dma_wait3A_511 = tpu.memref_slice %arg4[%dma_wait3A_509, %dma_wait3A_510] : memref<4194304x16xf32, #tpu.memory_space<hbm>> -> memref<416x16xf32, #tpu.memory_space<hbm>>
      tpu.wait_dma2 semaphore(%dma_wait3A_504 : memref<!tpu.dma_semaphore, #tpu.memory_space<semaphore_mem>>) src(%dma_wait3A_511 : memref<416x16xf32, #tpu.memory_space<hbm>>) dst(%dma_wait3A_508 : memref<416x16xf32, #tpu.memory_space<vmem>>)
      %mul3A_512 = arith.constant 8 : i32
      %mul3A_513 = arith.muli %scan3A_152, %mul3A_512 : i32
      %add3A_514 = arith.constant 2 : i32
      %add3A_515 = arith.addi %mul3A_513, %add3A_514 : i32
      %dma_start3A_516 = arith.constant 2 : i32
      %dma_start3A_517 = arith.constant 2 : i32
      %dma_start3A_518 = arith.constant 0 : i32
      %dma_start3A_519 = arith.constant 0 : i32
      %dma_start3A_520 = tpu.memref_slice %arg7[%dma_start3A_516, %dma_start3A_518, %dma_start3A_519] : memref<8x416x16xf32, #tpu.memory_space<vmem>> -> memref<1x416x16xf32, #tpu.memory_space<vmem>>
      %dma_start3A_521 = tpu.memref_squeeze %dma_start3A_520 : memref<1x416x16xf32, #tpu.memory_space<vmem>> -> memref<416x16xf32, #tpu.memory_space<vmem>>
      %dma_start3A_522 = arith.constant 0 : i32
      %dma_start3A_523 = tpu.memref_slice %arg6[%add3A_515, %dma_start3A_522] : memref<32x416xi32, #tpu.memory_space<vmem>> -> memref<1x416xi32, #tpu.memory_space<vmem>>
      %dma_start3A_524 = tpu.memref_squeeze %dma_start3A_523 : memref<1x416xi32, #tpu.memory_space<vmem>> -> memref<416xi32, #tpu.memory_space<vmem>>
      %dma_start3A_525 = arith.constant 0 : i32
      %dma_start3A_526 = arith.constant 0 : i32
      %dma_start3A_527 = tpu.memref_slice %arg4[%dma_start3A_525, %dma_start3A_526] : memref<4194304x16xf32, #tpu.memory_space<hbm>> -> memref<4194304x16xf32, #tpu.memory_space<hbm>>
      %dma_start3A_528 = tpu.memref_slice %arg9[%dma_start3A_517] : memref<8x!tpu.dma_semaphore, #tpu.memory_space<semaphore_mem>> -> memref<1x!tpu.dma_semaphore, #tpu.memory_space<semaphore_mem>>
      %dma_start3A_529 = tpu.memref_squeeze %dma_start3A_528 : memref<1x!tpu.dma_semaphore, #tpu.memory_space<semaphore_mem>> -> memref<!tpu.dma_semaphore, #tpu.memory_space<semaphore_mem>>
      tpu.enqueue_indirect_dma source(%dma_start3A_521 : memref<416x16xf32, #tpu.memory_space<vmem>>) target(%dma_start3A_527 : memref<4194304x16xf32, #tpu.memory_space<hbm>>) offsets(%dma_start3A_524 : memref<416xi32, #tpu.memory_space<vmem>>) semaphore(%dma_start3A_529 : memref<!tpu.dma_semaphore, #tpu.memory_space<semaphore_mem>>)
      %dma_wait3A_530 = arith.constant 3 : i32
      %dma_wait3A_531 = arith.constant 3 : i32
      %dma_wait3A_532 = arith.constant 0 : i32
      %dma_wait3A_533 = arith.constant 0 : i32
      %dma_wait3A_534 = tpu.memref_slice %arg7[%dma_wait3A_530, %dma_wait3A_532, %dma_wait3A_533] : memref<8x416x16xf32, #tpu.memory_space<vmem>> -> memref<1x416x16xf32, #tpu.memory_space<vmem>>
      %dma_wait3A_535 = tpu.memref_squeeze %dma_wait3A_534 : memref<1x416x16xf32, #tpu.memory_space<vmem>> -> memref<416x16xf32, #tpu.memory_space<vmem>>
      %dma_wait3A_536 = arith.constant 0 : i32
      %dma_wait3A_537 = arith.constant 0 : i32
      %dma_wait3A_538 = tpu.memref_slice %arg4[%dma_wait3A_536, %dma_wait3A_537] : memref<4194304x16xf32, #tpu.memory_space<hbm>> -> memref<416x16xf32, #tpu.memory_space<hbm>>
      %dma_wait3A_539 = tpu.memref_slice %arg8[%dma_wait3A_531] : memref<8x!tpu.dma_semaphore, #tpu.memory_space<semaphore_mem>> -> memref<1x!tpu.dma_semaphore, #tpu.memory_space<semaphore_mem>>
      %dma_wait3A_540 = tpu.memref_squeeze %dma_wait3A_539 : memref<1x!tpu.dma_semaphore, #tpu.memory_space<semaphore_mem>> -> memref<!tpu.dma_semaphore, #tpu.memory_space<semaphore_mem>>
      %dma_wait3A_541 = arith.constant 0 : i32
      %dma_wait3A_542 = arith.constant 0 : i32
      %dma_wait3A_543 = tpu.memref_slice %arg7[%dma_wait3A_530, %dma_wait3A_541, %dma_wait3A_542] : memref<8x416x16xf32, #tpu.memory_space<vmem>> -> memref<1x416x16xf32, #tpu.memory_space<vmem>>
      %dma_wait3A_544 = tpu.memref_squeeze %dma_wait3A_543 : memref<1x416x16xf32, #tpu.memory_space<vmem>> -> memref<416x16xf32, #tpu.memory_space<vmem>>
      %dma_wait3A_545 = arith.constant 0 : i32
      %dma_wait3A_546 = arith.constant 0 : i32
      %dma_wait3A_547 = tpu.memref_slice %arg4[%dma_wait3A_545, %dma_wait3A_546] : memref<4194304x16xf32, #tpu.memory_space<hbm>> -> memref<416x16xf32, #tpu.memory_space<hbm>>
      tpu.wait_dma2 semaphore(%dma_wait3A_540 : memref<!tpu.dma_semaphore, #tpu.memory_space<semaphore_mem>>) src(%dma_wait3A_547 : memref<416x16xf32, #tpu.memory_space<hbm>>) dst(%dma_wait3A_544 : memref<416x16xf32, #tpu.memory_space<vmem>>)
      %mul3A_548 = arith.constant 8 : i32
      %mul3A_549 = arith.muli %scan3A_152, %mul3A_548 : i32
      %add3A_550 = arith.constant 3 : i32
      %add3A_551 = arith.addi %mul3A_549, %add3A_550 : i32
      %dma_start3A_552 = arith.constant 3 : i32
      %dma_start3A_553 = arith.constant 3 : i32
      %dma_start3A_554 = arith.constant 0 : i32
      %dma_start3A_555 = arith.constant 0 : i32
      %dma_start3A_556 = tpu.memref_slice %arg7[%dma_start3A_552, %dma_start3A_554, %dma_start3A_555] : memref<8x416x16xf32, #tpu.memory_space<vmem>> -> memref<1x416x16xf32, #tpu.memory_space<vmem>>
      %dma_start3A_557 = tpu.memref_squeeze %dma_start3A_556 : memref<1x416x16xf32, #tpu.memory_space<vmem>> -> memref<416x16xf32, #tpu.memory_space<vmem>>
      %dma_start3A_558 = arith.constant 0 : i32
      %dma_start3A_559 = tpu.memref_slice %arg6[%add3A_551, %dma_start3A_558] : memref<32x416xi32, #tpu.memory_space<vmem>> -> memref<1x416xi32, #tpu.memory_space<vmem>>
      %dma_start3A_560 = tpu.memref_squeeze %dma_start3A_559 : memref<1x416xi32, #tpu.memory_space<vmem>> -> memref<416xi32, #tpu.memory_space<vmem>>
      %dma_start3A_561 = arith.constant 0 : i32
      %dma_start3A_562 = arith.constant 0 : i32
      %dma_start3A_563 = tpu.memref_slice %arg4[%dma_start3A_561, %dma_start3A_562] : memref<4194304x16xf32, #tpu.memory_space<hbm>> -> memref<4194304x16xf32, #tpu.memory_space<hbm>>
      %dma_start3A_564 = tpu.memref_slice %arg9[%dma_start3A_553] : memref<8x!tpu.dma_semaphore, #tpu.memory_space<semaphore_mem>> -> memref<1x!tpu.dma_semaphore, #tpu.memory_space<semaphore_mem>>
      %dma_start3A_565 = tpu.memref_squeeze %dma_start3A_564 : memref<1x!tpu.dma_semaphore, #tpu.memory_space<semaphore_mem>> -> memref<!tpu.dma_semaphore, #tpu.memory_space<semaphore_mem>>
      tpu.enqueue_indirect_dma source(%dma_start3A_557 : memref<416x16xf32, #tpu.memory_space<vmem>>) target(%dma_start3A_563 : memref<4194304x16xf32, #tpu.memory_space<hbm>>) offsets(%dma_start3A_560 : memref<416xi32, #tpu.memory_space<vmem>>) semaphore(%dma_start3A_565 : memref<!tpu.dma_semaphore, #tpu.memory_space<semaphore_mem>>)
      %dma_wait3A_566 = arith.constant 4 : i32
      %dma_wait3A_567 = arith.constant 4 : i32
      %dma_wait3A_568 = arith.constant 0 : i32
      %dma_wait3A_569 = arith.constant 0 : i32
      %dma_wait3A_570 = tpu.memref_slice %arg7[%dma_wait3A_566, %dma_wait3A_568, %dma_wait3A_569] : memref<8x416x16xf32, #tpu.memory_space<vmem>> -> memref<1x416x16xf32, #tpu.memory_space<vmem>>
      %dma_wait3A_571 = tpu.memref_squeeze %dma_wait3A_570 : memref<1x416x16xf32, #tpu.memory_space<vmem>> -> memref<416x16xf32, #tpu.memory_space<vmem>>
      %dma_wait3A_572 = arith.constant 0 : i32
      %dma_wait3A_573 = arith.constant 0 : i32
      %dma_wait3A_574 = tpu.memref_slice %arg4[%dma_wait3A_572, %dma_wait3A_573] : memref<4194304x16xf32, #tpu.memory_space<hbm>> -> memref<416x16xf32, #tpu.memory_space<hbm>>
      %dma_wait3A_575 = tpu.memref_slice %arg8[%dma_wait3A_567] : memref<8x!tpu.dma_semaphore, #tpu.memory_space<semaphore_mem>> -> memref<1x!tpu.dma_semaphore, #tpu.memory_space<semaphore_mem>>
      %dma_wait3A_576 = tpu.memref_squeeze %dma_wait3A_575 : memref<1x!tpu.dma_semaphore, #tpu.memory_space<semaphore_mem>> -> memref<!tpu.dma_semaphore, #tpu.memory_space<semaphore_mem>>
      %dma_wait3A_577 = arith.constant 0 : i32
      %dma_wait3A_578 = arith.constant 0 : i32
      %dma_wait3A_579 = tpu.memref_slice %arg7[%dma_wait3A_566, %dma_wait3A_577, %dma_wait3A_578] : memref<8x416x16xf32, #tpu.memory_space<vmem>> -> memref<1x416x16xf32, #tpu.memory_space<vmem>>
      %dma_wait3A_580 = tpu.memref_squeeze %dma_wait3A_579 : memref<1x416x16xf32, #tpu.memory_space<vmem>> -> memref<416x16xf32, #tpu.memory_space<vmem>>
      %dma_wait3A_581 = arith.constant 0 : i32
      %dma_wait3A_582 = arith.constant 0 : i32
      %dma_wait3A_583 = tpu.memref_slice %arg4[%dma_wait3A_581, %dma_wait3A_582] : memref<4194304x16xf32, #tpu.memory_space<hbm>> -> memref<416x16xf32, #tpu.memory_space<hbm>>
      tpu.wait_dma2 semaphore(%dma_wait3A_576 : memref<!tpu.dma_semaphore, #tpu.memory_space<semaphore_mem>>) src(%dma_wait3A_583 : memref<416x16xf32, #tpu.memory_space<hbm>>) dst(%dma_wait3A_580 : memref<416x16xf32, #tpu.memory_space<vmem>>)
      %mul3A_584 = arith.constant 8 : i32
      %mul3A_585 = arith.muli %scan3A_152, %mul3A_584 : i32
      %add3A_586 = arith.constant 4 : i32
      %add3A_587 = arith.addi %mul3A_585, %add3A_586 : i32
      %dma_start3A_588 = arith.constant 4 : i32
      %dma_start3A_589 = arith.constant 4 : i32
      %dma_start3A_590 = arith.constant 0 : i32
      %dma_start3A_591 = arith.constant 0 : i32
      %dma_start3A_592 = tpu.memref_slice %arg7[%dma_start3A_588, %dma_start3A_590, %dma_start3A_591] : memref<8x416x16xf32, #tpu.memory_space<vmem>> -> memref<1x416x16xf32, #tpu.memory_space<vmem>>
      %dma_start3A_593 = tpu.memref_squeeze %dma_start3A_592 : memref<1x416x16xf32, #tpu.memory_space<vmem>> -> memref<416x16xf32, #tpu.memory_space<vmem>>
      %dma_start3A_594 = arith.constant 0 : i32
      %dma_start3A_595 = tpu.memref_slice %arg6[%add3A_587, %dma_start3A_594] : memref<32x416xi32, #tpu.memory_space<vmem>> -> memref<1x416xi32, #tpu.memory_space<vmem>>
      %dma_start3A_596 = tpu.memref_squeeze %dma_start3A_595 : memref<1x416xi32, #tpu.memory_space<vmem>> -> memref<416xi32, #tpu.memory_space<vmem>>
      %dma_start3A_597 = arith.constant 0 : i32
      %dma_start3A_598 = arith.constant 0 : i32
      %dma_start3A_599 = tpu.memref_slice %arg4[%dma_start3A_597, %dma_start3A_598] : memref<4194304x16xf32, #tpu.memory_space<hbm>> -> memref<4194304x16xf32, #tpu.memory_space<hbm>>
      %dma_start3A_600 = tpu.memref_slice %arg9[%dma_start3A_589] : memref<8x!tpu.dma_semaphore, #tpu.memory_space<semaphore_mem>> -> memref<1x!tpu.dma_semaphore, #tpu.memory_space<semaphore_mem>>
      %dma_start3A_601 = tpu.memref_squeeze %dma_start3A_600 : memref<1x!tpu.dma_semaphore, #tpu.memory_space<semaphore_mem>> -> memref<!tpu.dma_semaphore, #tpu.memory_space<semaphore_mem>>
      tpu.enqueue_indirect_dma source(%dma_start3A_593 : memref<416x16xf32, #tpu.memory_space<vmem>>) target(%dma_start3A_599 : memref<4194304x16xf32, #tpu.memory_space<hbm>>) offsets(%dma_start3A_596 : memref<416xi32, #tpu.memory_space<vmem>>) semaphore(%dma_start3A_601 : memref<!tpu.dma_semaphore, #tpu.memory_space<semaphore_mem>>)
      %dma_wait3A_602 = arith.constant 5 : i32
      %dma_wait3A_603 = arith.constant 5 : i32
      %dma_wait3A_604 = arith.constant 0 : i32
      %dma_wait3A_605 = arith.constant 0 : i32
      %dma_wait3A_606 = tpu.memref_slice %arg7[%dma_wait3A_602, %dma_wait3A_604, %dma_wait3A_605] : memref<8x416x16xf32, #tpu.memory_space<vmem>> -> memref<1x416x16xf32, #tpu.memory_space<vmem>>
      %dma_wait3A_607 = tpu.memref_squeeze %dma_wait3A_606 : memref<1x416x16xf32, #tpu.memory_space<vmem>> -> memref<416x16xf32, #tpu.memory_space<vmem>>
      %dma_wait3A_608 = arith.constant 0 : i32
      %dma_wait3A_609 = arith.constant 0 : i32
      %dma_wait3A_610 = tpu.memref_slice %arg4[%dma_wait3A_608, %dma_wait3A_609] : memref<4194304x16xf32, #tpu.memory_space<hbm>> -> memref<416x16xf32, #tpu.memory_space<hbm>>
      %dma_wait3A_611 = tpu.memref_slice %arg8[%dma_wait3A_603] : memref<8x!tpu.dma_semaphore, #tpu.memory_space<semaphore_mem>> -> memref<1x!tpu.dma_semaphore, #tpu.memory_space<semaphore_mem>>
      %dma_wait3A_612 = tpu.memref_squeeze %dma_wait3A_611 : memref<1x!tpu.dma_semaphore, #tpu.memory_space<semaphore_mem>> -> memref<!tpu.dma_semaphore, #tpu.memory_space<semaphore_mem>>
      %dma_wait3A_613 = arith.constant 0 : i32
      %dma_wait3A_614 = arith.constant 0 : i32
      %dma_wait3A_615 = tpu.memref_slice %arg7[%dma_wait3A_602, %dma_wait3A_613, %dma_wait3A_614] : memref<8x416x16xf32, #tpu.memory_space<vmem>> -> memref<1x416x16xf32, #tpu.memory_space<vmem>>
      %dma_wait3A_616 = tpu.memref_squeeze %dma_wait3A_615 : memref<1x416x16xf32, #tpu.memory_space<vmem>> -> memref<416x16xf32, #tpu.memory_space<vmem>>
      %dma_wait3A_617 = arith.constant 0 : i32
      %dma_wait3A_618 = arith.constant 0 : i32
      %dma_wait3A_619 = tpu.memref_slice %arg4[%dma_wait3A_617, %dma_wait3A_618] : memref<4194304x16xf32, #tpu.memory_space<hbm>> -> memref<416x16xf32, #tpu.memory_space<hbm>>
      tpu.wait_dma2 semaphore(%dma_wait3A_612 : memref<!tpu.dma_semaphore, #tpu.memory_space<semaphore_mem>>) src(%dma_wait3A_619 : memref<416x16xf32, #tpu.memory_space<hbm>>) dst(%dma_wait3A_616 : memref<416x16xf32, #tpu.memory_space<vmem>>)
      %mul3A_620 = arith.constant 8 : i32
      %mul3A_621 = arith.muli %scan3A_152, %mul3A_620 : i32
      %add3A_622 = arith.constant 5 : i32
      %add3A_623 = arith.addi %mul3A_621, %add3A_622 : i32
      %dma_start3A_624 = arith.constant 5 : i32
      %dma_start3A_625 = arith.constant 5 : i32
      %dma_start3A_626 = arith.constant 0 : i32
      %dma_start3A_627 = arith.constant 0 : i32
      %dma_start3A_628 = tpu.memref_slice %arg7[%dma_start3A_624, %dma_start3A_626, %dma_start3A_627] : memref<8x416x16xf32, #tpu.memory_space<vmem>> -> memref<1x416x16xf32, #tpu.memory_space<vmem>>
      %dma_start3A_629 = tpu.memref_squeeze %dma_start3A_628 : memref<1x416x16xf32, #tpu.memory_space<vmem>> -> memref<416x16xf32, #tpu.memory_space<vmem>>
      %dma_start3A_630 = arith.constant 0 : i32
      %dma_start3A_631 = tpu.memref_slice %arg6[%add3A_623, %dma_start3A_630] : memref<32x416xi32, #tpu.memory_space<vmem>> -> memref<1x416xi32, #tpu.memory_space<vmem>>
      %dma_start3A_632 = tpu.memref_squeeze %dma_start3A_631 : memref<1x416xi32, #tpu.memory_space<vmem>> -> memref<416xi32, #tpu.memory_space<vmem>>
      %dma_start3A_633 = arith.constant 0 : i32
      %dma_start3A_634 = arith.constant 0 : i32
      %dma_start3A_635 = tpu.memref_slice %arg4[%dma_start3A_633, %dma_start3A_634] : memref<4194304x16xf32, #tpu.memory_space<hbm>> -> memref<4194304x16xf32, #tpu.memory_space<hbm>>
      %dma_start3A_636 = tpu.memref_slice %arg9[%dma_start3A_625] : memref<8x!tpu.dma_semaphore, #tpu.memory_space<semaphore_mem>> -> memref<1x!tpu.dma_semaphore, #tpu.memory_space<semaphore_mem>>
      %dma_start3A_637 = tpu.memref_squeeze %dma_start3A_636 : memref<1x!tpu.dma_semaphore, #tpu.memory_space<semaphore_mem>> -> memref<!tpu.dma_semaphore, #tpu.memory_space<semaphore_mem>>
      tpu.enqueue_indirect_dma source(%dma_start3A_629 : memref<416x16xf32, #tpu.memory_space<vmem>>) target(%dma_start3A_635 : memref<4194304x16xf32, #tpu.memory_space<hbm>>) offsets(%dma_start3A_632 : memref<416xi32, #tpu.memory_space<vmem>>) semaphore(%dma_start3A_637 : memref<!tpu.dma_semaphore, #tpu.memory_space<semaphore_mem>>)
      %dma_wait3A_638 = arith.constant 6 : i32
      %dma_wait3A_639 = arith.constant 6 : i32
      %dma_wait3A_640 = arith.constant 0 : i32
      %dma_wait3A_641 = arith.constant 0 : i32
      %dma_wait3A_642 = tpu.memref_slice %arg7[%dma_wait3A_638, %dma_wait3A_640, %dma_wait3A_641] : memref<8x416x16xf32, #tpu.memory_space<vmem>> -> memref<1x416x16xf32, #tpu.memory_space<vmem>>
      %dma_wait3A_643 = tpu.memref_squeeze %dma_wait3A_642 : memref<1x416x16xf32, #tpu.memory_space<vmem>> -> memref<416x16xf32, #tpu.memory_space<vmem>>
      %dma_wait3A_644 = arith.constant 0 : i32
      %dma_wait3A_645 = arith.constant 0 : i32
      %dma_wait3A_646 = tpu.memref_slice %arg4[%dma_wait3A_644, %dma_wait3A_645] : memref<4194304x16xf32, #tpu.memory_space<hbm>> -> memref<416x16xf32, #tpu.memory_space<hbm>>
      %dma_wait3A_647 = tpu.memref_slice %arg8[%dma_wait3A_639] : memref<8x!tpu.dma_semaphore, #tpu.memory_space<semaphore_mem>> -> memref<1x!tpu.dma_semaphore, #tpu.memory_space<semaphore_mem>>
      %dma_wait3A_648 = tpu.memref_squeeze %dma_wait3A_647 : memref<1x!tpu.dma_semaphore, #tpu.memory_space<semaphore_mem>> -> memref<!tpu.dma_semaphore, #tpu.memory_space<semaphore_mem>>
      %dma_wait3A_649 = arith.constant 0 : i32
      %dma_wait3A_650 = arith.constant 0 : i32
      %dma_wait3A_651 = tpu.memref_slice %arg7[%dma_wait3A_638, %dma_wait3A_649, %dma_wait3A_650] : memref<8x416x16xf32, #tpu.memory_space<vmem>> -> memref<1x416x16xf32, #tpu.memory_space<vmem>>
      %dma_wait3A_652 = tpu.memref_squeeze %dma_wait3A_651 : memref<1x416x16xf32, #tpu.memory_space<vmem>> -> memref<416x16xf32, #tpu.memory_space<vmem>>
      %dma_wait3A_653 = arith.constant 0 : i32
      %dma_wait3A_654 = arith.constant 0 : i32
      %dma_wait3A_655 = tpu.memref_slice %arg4[%dma_wait3A_653, %dma_wait3A_654] : memref<4194304x16xf32, #tpu.memory_space<hbm>> -> memref<416x16xf32, #tpu.memory_space<hbm>>
      tpu.wait_dma2 semaphore(%dma_wait3A_648 : memref<!tpu.dma_semaphore, #tpu.memory_space<semaphore_mem>>) src(%dma_wait3A_655 : memref<416x16xf32, #tpu.memory_space<hbm>>) dst(%dma_wait3A_652 : memref<416x16xf32, #tpu.memory_space<vmem>>)
      %mul3A_656 = arith.constant 8 : i32
      %mul3A_657 = arith.muli %scan3A_152, %mul3A_656 : i32
      %add3A_658 = arith.constant 6 : i32
      %add3A_659 = arith.addi %mul3A_657, %add3A_658 : i32
      %dma_start3A_660 = arith.constant 6 : i32
      %dma_start3A_661 = arith.constant 6 : i32
      %dma_start3A_662 = arith.constant 0 : i32
      %dma_start3A_663 = arith.constant 0 : i32
      %dma_start3A_664 = tpu.memref_slice %arg7[%dma_start3A_660, %dma_start3A_662, %dma_start3A_663] : memref<8x416x16xf32, #tpu.memory_space<vmem>> -> memref<1x416x16xf32, #tpu.memory_space<vmem>>
      %dma_start3A_665 = tpu.memref_squeeze %dma_start3A_664 : memref<1x416x16xf32, #tpu.memory_space<vmem>> -> memref<416x16xf32, #tpu.memory_space<vmem>>
      %dma_start3A_666 = arith.constant 0 : i32
      %dma_start3A_667 = tpu.memref_slice %arg6[%add3A_659, %dma_start3A_666] : memref<32x416xi32, #tpu.memory_space<vmem>> -> memref<1x416xi32, #tpu.memory_space<vmem>>
      %dma_start3A_668 = tpu.memref_squeeze %dma_start3A_667 : memref<1x416xi32, #tpu.memory_space<vmem>> -> memref<416xi32, #tpu.memory_space<vmem>>
      %dma_start3A_669 = arith.constant 0 : i32
      %dma_start3A_670 = arith.constant 0 : i32
      %dma_start3A_671 = tpu.memref_slice %arg4[%dma_start3A_669, %dma_start3A_670] : memref<4194304x16xf32, #tpu.memory_space<hbm>> -> memref<4194304x16xf32, #tpu.memory_space<hbm>>
      %dma_start3A_672 = tpu.memref_slice %arg9[%dma_start3A_661] : memref<8x!tpu.dma_semaphore, #tpu.memory_space<semaphore_mem>> -> memref<1x!tpu.dma_semaphore, #tpu.memory_space<semaphore_mem>>
      %dma_start3A_673 = tpu.memref_squeeze %dma_start3A_672 : memref<1x!tpu.dma_semaphore, #tpu.memory_space<semaphore_mem>> -> memref<!tpu.dma_semaphore, #tpu.memory_space<semaphore_mem>>
      tpu.enqueue_indirect_dma source(%dma_start3A_665 : memref<416x16xf32, #tpu.memory_space<vmem>>) target(%dma_start3A_671 : memref<4194304x16xf32, #tpu.memory_space<hbm>>) offsets(%dma_start3A_668 : memref<416xi32, #tpu.memory_space<vmem>>) semaphore(%dma_start3A_673 : memref<!tpu.dma_semaphore, #tpu.memory_space<semaphore_mem>>)
      %dma_wait3A_674 = arith.constant 7 : i32
      %dma_wait3A_675 = arith.constant 7 : i32
      %dma_wait3A_676 = arith.constant 0 : i32
      %dma_wait3A_677 = arith.constant 0 : i32
      %dma_wait3A_678 = tpu.memref_slice %arg7[%dma_wait3A_674, %dma_wait3A_676, %dma_wait3A_677] : memref<8x416x16xf32, #tpu.memory_space<vmem>> -> memref<1x416x16xf32, #tpu.memory_space<vmem>>
      %dma_wait3A_679 = tpu.memref_squeeze %dma_wait3A_678 : memref<1x416x16xf32, #tpu.memory_space<vmem>> -> memref<416x16xf32, #tpu.memory_space<vmem>>
      %dma_wait3A_680 = arith.constant 0 : i32
      %dma_wait3A_681 = arith.constant 0 : i32
      %dma_wait3A_682 = tpu.memref_slice %arg4[%dma_wait3A_680, %dma_wait3A_681] : memref<4194304x16xf32, #tpu.memory_space<hbm>> -> memref<416x16xf32, #tpu.memory_space<hbm>>
      %dma_wait3A_683 = tpu.memref_slice %arg8[%dma_wait3A_675] : memref<8x!tpu.dma_semaphore, #tpu.memory_space<semaphore_mem>> -> memref<1x!tpu.dma_semaphore, #tpu.memory_space<semaphore_mem>>
      %dma_wait3A_684 = tpu.memref_squeeze %dma_wait3A_683 : memref<1x!tpu.dma_semaphore, #tpu.memory_space<semaphore_mem>> -> memref<!tpu.dma_semaphore, #tpu.memory_space<semaphore_mem>>
      %dma_wait3A_685 = arith.constant 0 : i32
      %dma_wait3A_686 = arith.constant 0 : i32
      %dma_wait3A_687 = tpu.memref_slice %arg7[%dma_wait3A_674, %dma_wait3A_685, %dma_wait3A_686] : memref<8x416x16xf32, #tpu.memory_space<vmem>> -> memref<1x416x16xf32, #tpu.memory_space<vmem>>
      %dma_wait3A_688 = tpu.memref_squeeze %dma_wait3A_687 : memref<1x416x16xf32, #tpu.memory_space<vmem>> -> memref<416x16xf32, #tpu.memory_space<vmem>>
      %dma_wait3A_689 = arith.constant 0 : i32
      %dma_wait3A_690 = arith.constant 0 : i32
      %dma_wait3A_691 = tpu.memref_slice %arg4[%dma_wait3A_689, %dma_wait3A_690] : memref<4194304x16xf32, #tpu.memory_space<hbm>> -> memref<416x16xf32, #tpu.memory_space<hbm>>
      tpu.wait_dma2 semaphore(%dma_wait3A_684 : memref<!tpu.dma_semaphore, #tpu.memory_space<semaphore_mem>>) src(%dma_wait3A_691 : memref<416x16xf32, #tpu.memory_space<hbm>>) dst(%dma_wait3A_688 : memref<416x16xf32, #tpu.memory_space<vmem>>)
      %mul3A_692 = arith.constant 8 : i32
      %mul3A_693 = arith.muli %scan3A_152, %mul3A_692 : i32
      %add3A_694 = arith.constant 7 : i32
      %add3A_695 = arith.addi %mul3A_693, %add3A_694 : i32
      %dma_start3A_696 = arith.constant 7 : i32
      %dma_start3A_697 = arith.constant 7 : i32
      %dma_start3A_698 = arith.constant 0 : i32
      %dma_start3A_699 = arith.constant 0 : i32
      %dma_start3A_700 = tpu.memref_slice %arg7[%dma_start3A_696, %dma_start3A_698, %dma_start3A_699] : memref<8x416x16xf32, #tpu.memory_space<vmem>> -> memref<1x416x16xf32, #tpu.memory_space<vmem>>
      %dma_start3A_701 = tpu.memref_squeeze %dma_start3A_700 : memref<1x416x16xf32, #tpu.memory_space<vmem>> -> memref<416x16xf32, #tpu.memory_space<vmem>>
      %dma_start3A_702 = arith.constant 0 : i32
      %dma_start3A_703 = tpu.memref_slice %arg6[%add3A_695, %dma_start3A_702] : memref<32x416xi32, #tpu.memory_space<vmem>> -> memref<1x416xi32, #tpu.memory_space<vmem>>
      %dma_start3A_704 = tpu.memref_squeeze %dma_start3A_703 : memref<1x416xi32, #tpu.memory_space<vmem>> -> memref<416xi32, #tpu.memory_space<vmem>>
      %dma_start3A_705 = arith.constant 0 : i32
      %dma_start3A_706 = arith.constant 0 : i32
      %dma_start3A_707 = tpu.memref_slice %arg4[%dma_start3A_705, %dma_start3A_706] : memref<4194304x16xf32, #tpu.memory_space<hbm>> -> memref<4194304x16xf32, #tpu.memory_space<hbm>>
      %dma_start3A_708 = tpu.memref_slice %arg9[%dma_start3A_697] : memref<8x!tpu.dma_semaphore, #tpu.memory_space<semaphore_mem>> -> memref<1x!tpu.dma_semaphore, #tpu.memory_space<semaphore_mem>>
      %dma_start3A_709 = tpu.memref_squeeze %dma_start3A_708 : memref<1x!tpu.dma_semaphore, #tpu.memory_space<semaphore_mem>> -> memref<!tpu.dma_semaphore, #tpu.memory_space<semaphore_mem>>
      tpu.enqueue_indirect_dma source(%dma_start3A_701 : memref<416x16xf32, #tpu.memory_space<vmem>>) target(%dma_start3A_707 : memref<4194304x16xf32, #tpu.memory_space<hbm>>) offsets(%dma_start3A_704 : memref<416xi32, #tpu.memory_space<vmem>>) semaphore(%dma_start3A_709 : memref<!tpu.dma_semaphore, #tpu.memory_space<semaphore_mem>>)
      %scan3A_710 = arith.constant 0 : i32
      scf.yield %scan3A_710 : i32
    }
    %scan3A_8 = arith.constant 4 : i32
    %dma_wait3A = arith.constant 0 : i32
    %dma_wait3A_9 = arith.constant 0 : i32
    %dma_wait3A_10 = arith.constant 0 : i32
    %dma_wait3A_11 = arith.constant 0 : i32
    %dma_wait3A_12 = tpu.memref_slice %arg7[%dma_wait3A, %dma_wait3A_10, %dma_wait3A_11] : memref<8x416x16xf32, #tpu.memory_space<vmem>> -> memref<1x416x16xf32, #tpu.memory_space<vmem>>
    %dma_wait3A_13 = tpu.memref_squeeze %dma_wait3A_12 : memref<1x416x16xf32, #tpu.memory_space<vmem>> -> memref<416x16xf32, #tpu.memory_space<vmem>>
    %dma_wait3A_14 = arith.constant 0 : i32
    %dma_wait3A_15 = arith.constant 0 : i32
    %dma_wait3A_16 = tpu.memref_slice %arg4[%dma_wait3A_14, %dma_wait3A_15] : memref<4194304x16xf32, #tpu.memory_space<hbm>> -> memref<416x16xf32, #tpu.memory_space<hbm>>
    %dma_wait3A_17 = tpu.memref_slice %arg9[%dma_wait3A_9] : memref<8x!tpu.dma_semaphore, #tpu.memory_space<semaphore_mem>> -> memref<1x!tpu.dma_semaphore, #tpu.memory_space<semaphore_mem>>
    %dma_wait3A_18 = tpu.memref_squeeze %dma_wait3A_17 : memref<1x!tpu.dma_semaphore, #tpu.memory_space<semaphore_mem>> -> memref<!tpu.dma_semaphore, #tpu.memory_space<semaphore_mem>>
    %dma_wait3A_19 = arith.constant 0 : i32
    %dma_wait3A_20 = arith.constant 0 : i32
    %dma_wait3A_21 = tpu.memref_slice %arg4[%dma_wait3A_19, %dma_wait3A_20] : memref<4194304x16xf32, #tpu.memory_space<hbm>> -> memref<416x16xf32, #tpu.memory_space<hbm>>
    %dma_wait3A_22 = arith.constant 0 : i32
    %dma_wait3A_23 = arith.constant 0 : i32
    %dma_wait3A_24 = tpu.memref_slice %arg7[%dma_wait3A, %dma_wait3A_22, %dma_wait3A_23] : memref<8x416x16xf32, #tpu.memory_space<vmem>> -> memref<1x416x16xf32, #tpu.memory_space<vmem>>
    %dma_wait3A_25 = tpu.memref_squeeze %dma_wait3A_24 : memref<1x416x16xf32, #tpu.memory_space<vmem>> -> memref<416x16xf32, #tpu.memory_space<vmem>>
    tpu.wait_dma2 semaphore(%dma_wait3A_18 : memref<!tpu.dma_semaphore, #tpu.memory_space<semaphore_mem>>) src(%dma_wait3A_25 : memref<416x16xf32, #tpu.memory_space<vmem>>) dst(%dma_wait3A_21 : memref<416x16xf32, #tpu.memory_space<hbm>>)
    %dma_wait3A_26 = arith.constant 1 : i32
    %dma_wait3A_27 = arith.constant 1 : i32
    %dma_wait3A_28 = arith.constant 0 : i32
    %dma_wait3A_29 = arith.constant 0 : i32
    %dma_wait3A_30 = tpu.memref_slice %arg7[%dma_wait3A_26, %dma_wait3A_28, %dma_wait3A_29] : memref<8x416x16xf32, #tpu.memory_space<vmem>> -> memref<1x416x16xf32, #tpu.memory_space<vmem>>
    %dma_wait3A_31 = tpu.memref_squeeze %dma_wait3A_30 : memref<1x416x16xf32, #tpu.memory_space<vmem>> -> memref<416x16xf32, #tpu.memory_space<vmem>>
    %dma_wait3A_32 = arith.constant 0 : i32
    %dma_wait3A_33 = arith.constant 0 : i32
    %dma_wait3A_34 = tpu.memref_slice %arg4[%dma_wait3A_32, %dma_wait3A_33] : memref<4194304x16xf32, #tpu.memory_space<hbm>> -> memref<416x16xf32, #tpu.memory_space<hbm>>
    %dma_wait3A_35 = tpu.memref_slice %arg9[%dma_wait3A_27] : memref<8x!tpu.dma_semaphore, #tpu.memory_space<semaphore_mem>> -> memref<1x!tpu.dma_semaphore, #tpu.memory_space<semaphore_mem>>
    %dma_wait3A_36 = tpu.memref_squeeze %dma_wait3A_35 : memref<1x!tpu.dma_semaphore, #tpu.memory_space<semaphore_mem>> -> memref<!tpu.dma_semaphore, #tpu.memory_space<semaphore_mem>>
    %dma_wait3A_37 = arith.constant 0 : i32
    %dma_wait3A_38 = arith.constant 0 : i32
    %dma_wait3A_39 = tpu.memref_slice %arg4[%dma_wait3A_37, %dma_wait3A_38] : memref<4194304x16xf32, #tpu.memory_space<hbm>> -> memref<416x16xf32, #tpu.memory_space<hbm>>
    %dma_wait3A_40 = arith.constant 0 : i32
    %dma_wait3A_41 = arith.constant 0 : i32
    %dma_wait3A_42 = tpu.memref_slice %arg7[%dma_wait3A_26, %dma_wait3A_40, %dma_wait3A_41] : memref<8x416x16xf32, #tpu.memory_space<vmem>> -> memref<1x416x16xf32, #tpu.memory_space<vmem>>
    %dma_wait3A_43 = tpu.memref_squeeze %dma_wait3A_42 : memref<1x416x16xf32, #tpu.memory_space<vmem>> -> memref<416x16xf32, #tpu.memory_space<vmem>>
    tpu.wait_dma2 semaphore(%dma_wait3A_36 : memref<!tpu.dma_semaphore, #tpu.memory_space<semaphore_mem>>) src(%dma_wait3A_43 : memref<416x16xf32, #tpu.memory_space<vmem>>) dst(%dma_wait3A_39 : memref<416x16xf32, #tpu.memory_space<hbm>>)
    %dma_wait3A_44 = arith.constant 2 : i32
    %dma_wait3A_45 = arith.constant 2 : i32
    %dma_wait3A_46 = arith.constant 0 : i32
    %dma_wait3A_47 = arith.constant 0 : i32
    %dma_wait3A_48 = tpu.memref_slice %arg7[%dma_wait3A_44, %dma_wait3A_46, %dma_wait3A_47] : memref<8x416x16xf32, #tpu.memory_space<vmem>> -> memref<1x416x16xf32, #tpu.memory_space<vmem>>
    %dma_wait3A_49 = tpu.memref_squeeze %dma_wait3A_48 : memref<1x416x16xf32, #tpu.memory_space<vmem>> -> memref<416x16xf32, #tpu.memory_space<vmem>>
    %dma_wait3A_50 = arith.constant 0 : i32
    %dma_wait3A_51 = arith.constant 0 : i32
    %dma_wait3A_52 = tpu.memref_slice %arg4[%dma_wait3A_50, %dma_wait3A_51] : memref<4194304x16xf32, #tpu.memory_space<hbm>> -> memref<416x16xf32, #tpu.memory_space<hbm>>
    %dma_wait3A_53 = tpu.memref_slice %arg9[%dma_wait3A_45] : memref<8x!tpu.dma_semaphore, #tpu.memory_space<semaphore_mem>> -> memref<1x!tpu.dma_semaphore, #tpu.memory_space<semaphore_mem>>
    %dma_wait3A_54 = tpu.memref_squeeze %dma_wait3A_53 : memref<1x!tpu.dma_semaphore, #tpu.memory_space<semaphore_mem>> -> memref<!tpu.dma_semaphore, #tpu.memory_space<semaphore_mem>>
    %dma_wait3A_55 = arith.constant 0 : i32
    %dma_wait3A_56 = arith.constant 0 : i32
    %dma_wait3A_57 = tpu.memref_slice %arg4[%dma_wait3A_55, %dma_wait3A_56] : memref<4194304x16xf32, #tpu.memory_space<hbm>> -> memref<416x16xf32, #tpu.memory_space<hbm>>
    %dma_wait3A_58 = arith.constant 0 : i32
    %dma_wait3A_59 = arith.constant 0 : i32
    %dma_wait3A_60 = tpu.memref_slice %arg7[%dma_wait3A_44, %dma_wait3A_58, %dma_wait3A_59] : memref<8x416x16xf32, #tpu.memory_space<vmem>> -> memref<1x416x16xf32, #tpu.memory_space<vmem>>
    %dma_wait3A_61 = tpu.memref_squeeze %dma_wait3A_60 : memref<1x416x16xf32, #tpu.memory_space<vmem>> -> memref<416x16xf32, #tpu.memory_space<vmem>>
    tpu.wait_dma2 semaphore(%dma_wait3A_54 : memref<!tpu.dma_semaphore, #tpu.memory_space<semaphore_mem>>) src(%dma_wait3A_61 : memref<416x16xf32, #tpu.memory_space<vmem>>) dst(%dma_wait3A_57 : memref<416x16xf32, #tpu.memory_space<hbm>>)
    %dma_wait3A_62 = arith.constant 3 : i32
    %dma_wait3A_63 = arith.constant 3 : i32
    %dma_wait3A_64 = arith.constant 0 : i32
    %dma_wait3A_65 = arith.constant 0 : i32
    %dma_wait3A_66 = tpu.memref_slice %arg7[%dma_wait3A_62, %dma_wait3A_64, %dma_wait3A_65] : memref<8x416x16xf32, #tpu.memory_space<vmem>> -> memref<1x416x16xf32, #tpu.memory_space<vmem>>
    %dma_wait3A_67 = tpu.memref_squeeze %dma_wait3A_66 : memref<1x416x16xf32, #tpu.memory_space<vmem>> -> memref<416x16xf32, #tpu.memory_space<vmem>>
    %dma_wait3A_68 = arith.constant 0 : i32
    %dma_wait3A_69 = arith.constant 0 : i32
    %dma_wait3A_70 = tpu.memref_slice %arg4[%dma_wait3A_68, %dma_wait3A_69] : memref<4194304x16xf32, #tpu.memory_space<hbm>> -> memref<416x16xf32, #tpu.memory_space<hbm>>
    %dma_wait3A_71 = tpu.memref_slice %arg9[%dma_wait3A_63] : memref<8x!tpu.dma_semaphore, #tpu.memory_space<semaphore_mem>> -> memref<1x!tpu.dma_semaphore, #tpu.memory_space<semaphore_mem>>
    %dma_wait3A_72 = tpu.memref_squeeze %dma_wait3A_71 : memref<1x!tpu.dma_semaphore, #tpu.memory_space<semaphore_mem>> -> memref<!tpu.dma_semaphore, #tpu.memory_space<semaphore_mem>>
    %dma_wait3A_73 = arith.constant 0 : i32
    %dma_wait3A_74 = arith.constant 0 : i32
    %dma_wait3A_75 = tpu.memref_slice %arg4[%dma_wait3A_73, %dma_wait3A_74] : memref<4194304x16xf32, #tpu.memory_space<hbm>> -> memref<416x16xf32, #tpu.memory_space<hbm>>
    %dma_wait3A_76 = arith.constant 0 : i32
    %dma_wait3A_77 = arith.constant 0 : i32
    %dma_wait3A_78 = tpu.memref_slice %arg7[%dma_wait3A_62, %dma_wait3A_76, %dma_wait3A_77] : memref<8x416x16xf32, #tpu.memory_space<vmem>> -> memref<1x416x16xf32, #tpu.memory_space<vmem>>
    %dma_wait3A_79 = tpu.memref_squeeze %dma_wait3A_78 : memref<1x416x16xf32, #tpu.memory_space<vmem>> -> memref<416x16xf32, #tpu.memory_space<vmem>>
    tpu.wait_dma2 semaphore(%dma_wait3A_72 : memref<!tpu.dma_semaphore, #tpu.memory_space<semaphore_mem>>) src(%dma_wait3A_79 : memref<416x16xf32, #tpu.memory_space<vmem>>) dst(%dma_wait3A_75 : memref<416x16xf32, #tpu.memory_space<hbm>>)
    %dma_wait3A_80 = arith.constant 4 : i32
    %dma_wait3A_81 = arith.constant 4 : i32
    %dma_wait3A_82 = arith.constant 0 : i32
    %dma_wait3A_83 = arith.constant 0 : i32
    %dma_wait3A_84 = tpu.memref_slice %arg7[%dma_wait3A_80, %dma_wait3A_82, %dma_wait3A_83] : memref<8x416x16xf32, #tpu.memory_space<vmem>> -> memref<1x416x16xf32, #tpu.memory_space<vmem>>
    %dma_wait3A_85 = tpu.memref_squeeze %dma_wait3A_84 : memref<1x416x16xf32, #tpu.memory_space<vmem>> -> memref<416x16xf32, #tpu.memory_space<vmem>>
    %dma_wait3A_86 = arith.constant 0 : i32
    %dma_wait3A_87 = arith.constant 0 : i32
    %dma_wait3A_88 = tpu.memref_slice %arg4[%dma_wait3A_86, %dma_wait3A_87] : memref<4194304x16xf32, #tpu.memory_space<hbm>> -> memref<416x16xf32, #tpu.memory_space<hbm>>
    %dma_wait3A_89 = tpu.memref_slice %arg9[%dma_wait3A_81] : memref<8x!tpu.dma_semaphore, #tpu.memory_space<semaphore_mem>> -> memref<1x!tpu.dma_semaphore, #tpu.memory_space<semaphore_mem>>
    %dma_wait3A_90 = tpu.memref_squeeze %dma_wait3A_89 : memref<1x!tpu.dma_semaphore, #tpu.memory_space<semaphore_mem>> -> memref<!tpu.dma_semaphore, #tpu.memory_space<semaphore_mem>>
    %dma_wait3A_91 = arith.constant 0 : i32
    %dma_wait3A_92 = arith.constant 0 : i32
    %dma_wait3A_93 = tpu.memref_slice %arg4[%dma_wait3A_91, %dma_wait3A_92] : memref<4194304x16xf32, #tpu.memory_space<hbm>> -> memref<416x16xf32, #tpu.memory_space<hbm>>
    %dma_wait3A_94 = arith.constant 0 : i32
    %dma_wait3A_95 = arith.constant 0 : i32
    %dma_wait3A_96 = tpu.memref_slice %arg7[%dma_wait3A_80, %dma_wait3A_94, %dma_wait3A_95] : memref<8x416x16xf32, #tpu.memory_space<vmem>> -> memref<1x416x16xf32, #tpu.memory_space<vmem>>
    %dma_wait3A_97 = tpu.memref_squeeze %dma_wait3A_96 : memref<1x416x16xf32, #tpu.memory_space<vmem>> -> memref<416x16xf32, #tpu.memory_space<vmem>>
    tpu.wait_dma2 semaphore(%dma_wait3A_90 : memref<!tpu.dma_semaphore, #tpu.memory_space<semaphore_mem>>) src(%dma_wait3A_97 : memref<416x16xf32, #tpu.memory_space<vmem>>) dst(%dma_wait3A_93 : memref<416x16xf32, #tpu.memory_space<hbm>>)
    %dma_wait3A_98 = arith.constant 5 : i32
    %dma_wait3A_99 = arith.constant 5 : i32
    %dma_wait3A_100 = arith.constant 0 : i32
    %dma_wait3A_101 = arith.constant 0 : i32
    %dma_wait3A_102 = tpu.memref_slice %arg7[%dma_wait3A_98, %dma_wait3A_100, %dma_wait3A_101] : memref<8x416x16xf32, #tpu.memory_space<vmem>> -> memref<1x416x16xf32, #tpu.memory_space<vmem>>
    %dma_wait3A_103 = tpu.memref_squeeze %dma_wait3A_102 : memref<1x416x16xf32, #tpu.memory_space<vmem>> -> memref<416x16xf32, #tpu.memory_space<vmem>>
    %dma_wait3A_104 = arith.constant 0 : i32
    %dma_wait3A_105 = arith.constant 0 : i32
    %dma_wait3A_106 = tpu.memref_slice %arg4[%dma_wait3A_104, %dma_wait3A_105] : memref<4194304x16xf32, #tpu.memory_space<hbm>> -> memref<416x16xf32, #tpu.memory_space<hbm>>
    %dma_wait3A_107 = tpu.memref_slice %arg9[%dma_wait3A_99] : memref<8x!tpu.dma_semaphore, #tpu.memory_space<semaphore_mem>> -> memref<1x!tpu.dma_semaphore, #tpu.memory_space<semaphore_mem>>
    %dma_wait3A_108 = tpu.memref_squeeze %dma_wait3A_107 : memref<1x!tpu.dma_semaphore, #tpu.memory_space<semaphore_mem>> -> memref<!tpu.dma_semaphore, #tpu.memory_space<semaphore_mem>>
    %dma_wait3A_109 = arith.constant 0 : i32
    %dma_wait3A_110 = arith.constant 0 : i32
    %dma_wait3A_111 = tpu.memref_slice %arg4[%dma_wait3A_109, %dma_wait3A_110] : memref<4194304x16xf32, #tpu.memory_space<hbm>> -> memref<416x16xf32, #tpu.memory_space<hbm>>
    %dma_wait3A_112 = arith.constant 0 : i32
    %dma_wait3A_113 = arith.constant 0 : i32
    %dma_wait3A_114 = tpu.memref_slice %arg7[%dma_wait3A_98, %dma_wait3A_112, %dma_wait3A_113] : memref<8x416x16xf32, #tpu.memory_space<vmem>> -> memref<1x416x16xf32, #tpu.memory_space<vmem>>
    %dma_wait3A_115 = tpu.memref_squeeze %dma_wait3A_114 : memref<1x416x16xf32, #tpu.memory_space<vmem>> -> memref<416x16xf32, #tpu.memory_space<vmem>>
    tpu.wait_dma2 semaphore(%dma_wait3A_108 : memref<!tpu.dma_semaphore, #tpu.memory_space<semaphore_mem>>) src(%dma_wait3A_115 : memref<416x16xf32, #tpu.memory_space<vmem>>) dst(%dma_wait3A_111 : memref<416x16xf32, #tpu.memory_space<hbm>>)
    %dma_wait3A_116 = arith.constant 6 : i32
    %dma_wait3A_117 = arith.constant 6 : i32
    %dma_wait3A_118 = arith.constant 0 : i32
    %dma_wait3A_119 = arith.constant 0 : i32
    %dma_wait3A_120 = tpu.memref_slice %arg7[%dma_wait3A_116, %dma_wait3A_118, %dma_wait3A_119] : memref<8x416x16xf32, #tpu.memory_space<vmem>> -> memref<1x416x16xf32, #tpu.memory_space<vmem>>
    %dma_wait3A_121 = tpu.memref_squeeze %dma_wait3A_120 : memref<1x416x16xf32, #tpu.memory_space<vmem>> -> memref<416x16xf32, #tpu.memory_space<vmem>>
    %dma_wait3A_122 = arith.constant 0 : i32
    %dma_wait3A_123 = arith.constant 0 : i32
    %dma_wait3A_124 = tpu.memref_slice %arg4[%dma_wait3A_122, %dma_wait3A_123] : memref<4194304x16xf32, #tpu.memory_space<hbm>> -> memref<416x16xf32, #tpu.memory_space<hbm>>
    %dma_wait3A_125 = tpu.memref_slice %arg9[%dma_wait3A_117] : memref<8x!tpu.dma_semaphore, #tpu.memory_space<semaphore_mem>> -> memref<1x!tpu.dma_semaphore, #tpu.memory_space<semaphore_mem>>
    %dma_wait3A_126 = tpu.memref_squeeze %dma_wait3A_125 : memref<1x!tpu.dma_semaphore, #tpu.memory_space<semaphore_mem>> -> memref<!tpu.dma_semaphore, #tpu.memory_space<semaphore_mem>>
    %dma_wait3A_127 = arith.constant 0 : i32
    %dma_wait3A_128 = arith.constant 0 : i32
    %dma_wait3A_129 = tpu.memref_slice %arg4[%dma_wait3A_127, %dma_wait3A_128] : memref<4194304x16xf32, #tpu.memory_space<hbm>> -> memref<416x16xf32, #tpu.memory_space<hbm>>
    %dma_wait3A_130 = arith.constant 0 : i32
    %dma_wait3A_131 = arith.constant 0 : i32
    %dma_wait3A_132 = tpu.memref_slice %arg7[%dma_wait3A_116, %dma_wait3A_130, %dma_wait3A_131] : memref<8x416x16xf32, #tpu.memory_space<vmem>> -> memref<1x416x16xf32, #tpu.memory_space<vmem>>
    %dma_wait3A_133 = tpu.memref_squeeze %dma_wait3A_132 : memref<1x416x16xf32, #tpu.memory_space<vmem>> -> memref<416x16xf32, #tpu.memory_space<vmem>>
    tpu.wait_dma2 semaphore(%dma_wait3A_126 : memref<!tpu.dma_semaphore, #tpu.memory_space<semaphore_mem>>) src(%dma_wait3A_133 : memref<416x16xf32, #tpu.memory_space<vmem>>) dst(%dma_wait3A_129 : memref<416x16xf32, #tpu.memory_space<hbm>>)
    %dma_wait3A_134 = arith.constant 7 : i32
    %dma_wait3A_135 = arith.constant 7 : i32
    %dma_wait3A_136 = arith.constant 0 : i32
    %dma_wait3A_137 = arith.constant 0 : i32
    %dma_wait3A_138 = tpu.memref_slice %arg7[%dma_wait3A_134, %dma_wait3A_136, %dma_wait3A_137] : memref<8x416x16xf32, #tpu.memory_space<vmem>> -> memref<1x416x16xf32, #tpu.memory_space<vmem>>
    %dma_wait3A_139 = tpu.memref_squeeze %dma_wait3A_138 : memref<1x416x16xf32, #tpu.memory_space<vmem>> -> memref<416x16xf32, #tpu.memory_space<vmem>>
    %dma_wait3A_140 = arith.constant 0 : i32
    %dma_wait3A_141 = arith.constant 0 : i32
    %dma_wait3A_142 = tpu.memref_slice %arg4[%dma_wait3A_140, %dma_wait3A_141] : memref<4194304x16xf32, #tpu.memory_space<hbm>> -> memref<416x16xf32, #tpu.memory_space<hbm>>
    %dma_wait3A_143 = tpu.memref_slice %arg9[%dma_wait3A_135] : memref<8x!tpu.dma_semaphore, #tpu.memory_space<semaphore_mem>> -> memref<1x!tpu.dma_semaphore, #tpu.memory_space<semaphore_mem>>
    %dma_wait3A_144 = tpu.memref_squeeze %dma_wait3A_143 : memref<1x!tpu.dma_semaphore, #tpu.memory_space<semaphore_mem>> -> memref<!tpu.dma_semaphore, #tpu.memory_space<semaphore_mem>>
    %dma_wait3A_145 = arith.constant 0 : i32
    %dma_wait3A_146 = arith.constant 0 : i32
    %dma_wait3A_147 = tpu.memref_slice %arg4[%dma_wait3A_145, %dma_wait3A_146] : memref<4194304x16xf32, #tpu.memory_space<hbm>> -> memref<416x16xf32, #tpu.memory_space<hbm>>
    %dma_wait3A_148 = arith.constant 0 : i32
    %dma_wait3A_149 = arith.constant 0 : i32
    %dma_wait3A_150 = tpu.memref_slice %arg7[%dma_wait3A_134, %dma_wait3A_148, %dma_wait3A_149] : memref<8x416x16xf32, #tpu.memory_space<vmem>> -> memref<1x416x16xf32, #tpu.memory_space<vmem>>
    %dma_wait3A_151 = tpu.memref_squeeze %dma_wait3A_150 : memref<1x416x16xf32, #tpu.memory_space<vmem>> -> memref<416x16xf32, #tpu.memory_space<vmem>>
    tpu.wait_dma2 semaphore(%dma_wait3A_144 : memref<!tpu.dma_semaphore, #tpu.memory_space<semaphore_mem>>) src(%dma_wait3A_151 : memref<416x16xf32, #tpu.memory_space<vmem>>) dst(%dma_wait3A_147 : memref<416x16xf32, #tpu.memory_space<hbm>>)
    return
  }
}

</mosaic_0001>

<sc_bundles>
// kernel: kernel.3.cloned.1.call-start
scs
__scs_entry_jumppad:
0x0: {  	(pc) =	sbr.rel $0x88, $3  }
0x1: {  	(tag) =	ssettag $0x0;
	lr =	simm.s32 $0x1  }
0x2: {  	[smem:$0x3F9F] =	sst lr;
	_ =	strace $0xD0000000  }
0x3: {  	_ = 	snop  }
0x4: {  	_ = 	snop  }
0x5: {  	_ = 	snop  }
0x6: {  	_ = 	snop  }
0x7: {  	_ = 	snop  }
__scs_overlays_trampoline_lowered:
0x8: {  	[smem:$0x3FAE] =	sst s0  }
0x9: {  	[smem:$0x3FAF] =	sst s1  }
0xa: {  	[smem:$0x3FB0] =	sst s2  }
0xb: {  	[smem:$0x3FB1] =	sst s3  }
0xc: {  	[smem:$0x3FB2] =	sst s4  }
0xd: {  	[smem:$0x3FB3] =	sst s5  }
0xe: {  	[smem:$0x3FB4] =	sst s6  }
0xf: {  	[smem:$0x3FB5] =	sst s7  }
0x10: {  	[smem:$0x3FB6] =	sst s8  }
0x11: {  	[smem:$0x3FB7] =	sst s9;
	s0 =	simm.s32 @!p0 $0x0  }
0x12: {  	s1 =	sld [smem:$0x3F9D];
	s0 =	simm.s32 @p0 $0x1  }
0x13: {  	[smem:$0x3FB8] =	sst s0;
	s0 =	simm.s32 @!p1 $0x0  }
0x14: {  	s2 =	sld [smem:$0x3F9C];
	s0 =	simm.s32 @p1 $0x1  }
0x15: {  	[smem:$0x3FB9] =	sst s0;
	s0 =	simm.s32 @!p2 $0x0  }
0x16: {  	s3 =	sld [smem:$0x3FDB];
	s0 =	simm.s32 @p2 $0x1  }
0x17: {  	s4 =	simm.s32 $0x1BF5;
	[smem:$0x3FBB] =	sst s0  }
0x18: {  	s0 =	sld [smem:$0x3F9E];
	_ =	swait.ge [sflag:s4], $0x0  }
0x19: {  	s7 =	sld [smem:$0x3F9F]  }
0x1a: {  	s8 =	sadd.s32 $0xFFFFE003, lr  }
0x1b: {  	s9 =	sadd.s32 $0xFFFFFEF7, lr;
	s5 =	simm.s32 $0xFFFFFFFF;
	p2 =	slt.u32 s8, $0xFFFFF086  }
0x1c: {  	p1 =	slt.u32 s9, $0xF7A;
	s5 =	simm.s32 @!p2 $0x0  }
0x1d: {  	s5 =	simm.s32 @p1 $0x1;
	p0 =	seq.s32 s7, s2  }
0x1e: {  	s7 =	smul.u32 @!p0 $0xF7A, s2;
	p2 =	seq.s32 @!p0 s5, $0x0  }
0x1f: {  	s9 =	smul.u32 $0xF7A, s1;
	s8 =	simm.s32 @!p0 $0x1BF5;
	p2 =	por !p2, p0  }
0x20: {  	[sflag:s8] =	ssyncset.s32 @!p0 $0xFFFFF086;
	s6 =	sadd.s32 @!p0 s3, s7;
	s7 =	simm.s32 @!p0 $0x108  }
0x21: {  	s3 =	sadd.s32 s3, s9;
	s6 =	sadd.s32 @!p0 $0x88, s6;
	s7 =	simm.s32 @p2 $0x1082  }
0x22: {  	[simem:s7], [sflag:s8] =	dma.local @!p0 [hbm:s6], $0xF7A  }
0x23: {  	s9 =	sor.u32 $0xD0000000, s2;
	s6 =	simm.s32 $0x108;
	_ =	swait.ge @!p0 [sflag:s8], $0x0  }
0x24: {  	s3 =	sadd.s32 $0x88, s3;
	s6 =	simm.s32 @!p1 $0x1082;
	[sflag:s4] =	ssyncset.s32 $0xFFFFF086  }
0x25: {  	[simem:s6], [sflag:s4] =	dma.local [hbm:s3], $0xF7A  }
0x26: {  	[smem:$0x3F9F] =	sst s1;
	(tag) =	ssettag s2;
	_ =	strace s9  }
0x27: {  	s1 =	sld [smem:$0x3FAF]  }
0x28: {  	s2 =	sld [smem:$0x3FB0]  }
0x29: {  	s4 =	sld [smem:$0x3FB2]  }
0x2a: {  	p0 =	seq.s32 s5, $0x0;
	s5 =	sld [smem:$0x3FB3]  }
0x2b: {  	s6 =	sld [smem:$0x3FB4]  }
0x2c: {  	s7 =	sld [smem:$0x3FB5]  }
0x2d: {  	s3 =	simm.s32 $0x108;
	s8 =	sld [smem:$0x3FB6]  }
0x2e: {  	s3 =	simm.s32 @!p0 $0x1082;
	s9 =	sld [smem:$0x3FB7]  }
0x2f: {  	lr =	sadd.s32 s0, s3;
	s0 =	sld [smem:$0x3FAE]  }
0x30: {  	s3 =	sld [smem:$0x3FB1]  }
0x31: {  	[smem:$0x3FBA] =	sst s10  }
0x32: {  	s10 =	sld [smem:$0x3FB8];
	_ =	sdelay $0x3  }
0x33: {  	p0 =	seq.s32 s10, $0x1;
	s10 =	sld [smem:$0x3FBA];
	_ =	sdelay $0x3  }
0x34: {  	[smem:$0x3FBA] =	sst s10  }
0x35: {  	s10 =	sld [smem:$0x3FB9];
	_ =	sdelay $0x3  }
0x36: {  	p1 =	seq.s32 s10, $0x1;
	s10 =	sld [smem:$0x3FBA];
	_ =	sdelay $0x3  }
0x37: {  	[smem:$0x3FBA] =	sst s10  }
0x38: {  	s10 =	sld [smem:$0x3FBB]  }
0x39: {  	_ = 	snop;
	(pc) =	sbr.ind lr, $3  }
0x3a: {  	_ = 	snop  }
0x3b: {  	_ = 	snop  }
0x3c: {  	p2 =	seq.s32 s10, $0x1;
	s10 =	sld [smem:$0x3FBA]  }
0x3d: {  	_ =	shalt  }
0x3e: {  	_ =	shalt  }
0x3f: {  	_ =	shalt  }
0x40: {  	_ =	shalt  }
0x41: {  	_ =	shalt  }
0x42: {  	_ =	shalt  }
0x43: {  	_ =	shalt  }
0x44: {  	_ =	shalt  }
0x45: {  	_ =	shalt  }
0x46: {  	_ =	shalt  }
0x47: {  	_ =	shalt  }
0x48: {  	_ =	shalt  }
0x49: {  	_ =	shalt  }
0x4a: {  	_ =	shalt  }
0x4b: {  	_ =	shalt  }
0x4c: {  	_ =	shalt  }
0x4d: {  	_ =	shalt  }
0x4e: {  	_ =	shalt  }
0x4f: {  	_ =	shalt  }
0x50: {  	_ =	shalt  }
0x51: {  	_ =	shalt  }
0x52: {  	_ =	shalt  }
0x53: {  	_ =	shalt  }
0x54: {  	_ =	shalt  }
0x55: {  	_ =	shalt  }
0x56: {  	_ =	shalt  }
0x57: {  	_ =	shalt  }
0x58: {  	_ =	shalt  }
0x59: {  	_ =	shalt  }
0x5a: {  	_ =	shalt  }
0x5b: {  	_ =	shalt  }
0x5c: {  	_ =	shalt  }
0x5d: {  	_ =	shalt  }
0x5e: {  	_ =	shalt  }
0x5f: {  	_ =	shalt  }
0x60: {  	_ =	shalt  }
0x61: {  	_ =	shalt  }
0x62: {  	_ =	shalt  }
0x63: {  	_ =	shalt  }
0x64: {  	_ =	shalt  }
0x65: {  	_ =	shalt  }
0x66: {  	_ =	shalt  }
0x67: {  	_ =	shalt  }
0x68: {  	_ =	shalt  }
0x69: {  	_ =	shalt  }
0x6a: {  	_ =	shalt  }
0x6b: {  	_ =	shalt  }
0x6c: {  	_ =	shalt  }
0x6d: {  	_ =	shalt  }
0x6e: {  	_ =	shalt  }
0x6f: {  	_ =	shalt  }
0x70: {  	_ =	shalt  }
0x71: {  	_ =	shalt  }
0x72: {  	_ =	shalt  }
0x73: {  	_ =	shalt  }
0x74: {  	_ =	shalt  }
0x75: {  	_ =	shalt  }
0x76: {  	_ =	shalt  }
0x77: {  	_ =	shalt  }
0x78: {  	_ =	shalt  }
0x79: {  	_ =	shalt  }
0x7a: {  	_ =	shalt  }
0x7b: {  	_ =	shalt  }
0x7c: {  	_ =	shalt  }
0x7d: {  	_ =	shalt  }
0x7e: {  	_ =	shalt  }
0x7f: {  	_ =	shalt  }
0x80: {  	_ =	shalt  }
0x81: {  	_ =	shalt  }
0x82: {  	_ =	shalt  }
0x83: {  	_ =	shalt  }
0x84: {  	_ =	shalt  }
0x85: {  	_ =	shalt  }
0x86: {  	_ =	shalt  }
0x87: {  	_ =	shalt  }
.Lfunc_end0:
.L_simem_size_0:
called_computation_lowered:
.L_overlay_start_0:
0x88: {  	s2 =	sld [smem:$0x3FD9]  }
0x89: {  	s3 =	sld [smem:$0x3FFE];
	_ =	sdelay $0x1  }
0x8a: {  	s1 =	srdreg.scid  }
0x8b: {  	s0 =	sand.u32 $0x1, s1  }
0x8c: {  	s17 =	sshll.u32 s0, $0xA;
	s2 =	sadd.s32 s3, s2  }
0x8d: {  	s2 =	sadd.s32 s2, s17  }
0x8e: {  	[smem:$0x3FC6] =	sst s2  }
0x8f: {  	_ = 	snop  }
0x90: {  	s2 =	sld [smem:$0x3FD0];
	(tm) =	ssettm $0x1  }
0x91: {  	s18 =	sld [smem:$0x3FFB];
	_ =	sdelay $0x3  }
0x92: {  	_ =	strace s18  }
0x93: {  	s3 =	sld [smem:$0x3FFC];
	_ =	sdelay $0x3  }
0x94: {  	_ =	strace s3  }
0x95: {  	s3 =	sld [smem:$0x3FFD];
	_ =	sdelay $0x3  }
0x96: {  	_ =	strace s3  }
0x97: {  	_ =	strace $0x8FFFFFFF  }
0x98: {  	s19 =	sld [smem:$0x3FDB];
	_ =	sdelay $0x1  }
0x99: {  	s4 =	simm.s32 $_scs_section_size  }
0x9a: {  	s5 =	simm.s32 $_size__tile_overlayer_lowered;
	s6 =	simm.s32 $_tile_overlayer_lowered  }
0x9b: {  	s22 =	simm.s32 $0x1BFF;
	s21 =	sshll.u32 s6, $0x1;
	s3 =	sadd.s32 s4, s19  }
0x9c: {  	s7 =	simm.s32 $0x0;
	s20 =	sshll.u32 s5, $0x1;
	s5 =	sadd.s32 s21, s3  }
0x9d: {  	[timem:s7], [sflag:s22] =	dma.local [hbm:s5], s20  }
0x9e: {  	_ =	swait.ge [sflag:s22], s20  }
0x9f: {  	s4 =	ssub.s32 $0x0, s20;
	[sflag:s22] =	ssyncset.done $0x0  }
0xa0: {  	[sflag:s22] =	ssyncadd.s32 s4;
	_ =	sdelay $0x1  }
0xa1: {  	s23 =	simm.s32 $0x1B8B  }
0xa2: {  	_ =	swait.ge [sflag:s23], $0x1  }
0xa3: {  	[sflag:s23] =	ssyncset.done $0x0  }
0xa4: {  	s25 =	simm.s32 $0x1B8E;
	s24 =	sld [smem:$0x3FFE];
	[sflag:s23] =	ssyncadd.s32 $0xFFFFFFFF  }
0xa5: {  	s26 =	simm.s32 $execute0_lowered;
	[smem:$0x3FD2] =	sst s25  }
0xa6: {  	s5 =	sshll.u32 s26, $0x1;
	_ =	strace $0x80000046;
	[dreg:$0x1] =	wrdreg $0xFFFFFFFF  }
0xa7: {  	s28 =	simm.s32 $_size_execute0_lowered;
	s3 =	sadd.s32 s3, s5;
	[dreg:$0x0] =	wrdreg $0x0  }
0xa8: {  	s5 =	sshll.u32 s28, $0x1;
	[dreg:$0x2] =	wrdreg s3  }
0xa9: {  	[dreg:$0x3] =	wrdreg s5  }
0xaa: {  	[dreg:$0x4] =	wrdreg $0xC0  }
0xab: {  	_ =	task [dreg:s7], $0x5FFFF  }
0xac: {  	[dreg:$0x1] =	wrdreg $0xFFFFFFFF  }
0xad: {  	[dreg:$0x0] =	wrdreg $0x60  }
0xae: {  	[dreg:$0x2] =	wrdreg s2  }
0xaf: {  	[dreg:$0x3] =	wrdreg s24  }
0xb0: {  	[dreg:$0x4] =	wrdreg $0x9  }
0xb1: {  	_ =	task.clear_ibuf [dreg:s7], $0x5FFFF;
	_ =	strace $0x90000046  }
0xb2: {  	s29 =	simm.s32 $0x9;
	_ =	strace $0x80000048  }
0xb3: {  	_ =	swait.ge [sflag:s29], $0x1  }
0xb4: {  	[sflag:s29] =	ssyncadd.s32 $0xFFFFFFFF  }
0xb5: {  	_ =	strace $0x90000048  }
0xb6: {  	_ =	sfence  }
0xb7: {  	s30 =	sld [smem:$0x0];
	_ =	sdelay $0x2  }
0xb8: {  	s31 =	sshll.u32 s1, $0xD;
	s1 =	sshrl.u32 s1, $0x2  }
0xb9: {  	s3 =	sand.u32 $0x4000, s31;
	s1 =	sadd.s32 s1, s30  }
0xba: {  	s0 =	sor.u32 s3, s0;
	s1 =	sshll.u32 s1, $0x11  }
0xbb: {  	s0 =	sor.u32 s1, s0  }
0xbc: {  	s0 =	sadd.s32 $0x8F2B, s0  }
0xbd: {  	[sflag:s0] =	ssyncadd.remote.s32 $0x1  }
0xbe: {  	_ =	sfence.sel $0xFFFF  }
0xbf: {  	[dreg:$0x0] =	wrdreg $0xFFFFFFFF;
	(pc) =	sbr.abs _section_cstart, $3  }
0xc0: {  	[dreg:$0x1] =	wrdreg $0xFFFFFFFF  }
0xc1: {  	_ =	task.clear_ibuf [dreg:s7], $0x2FFFF;
	_ =	strace $0x9FFFFFFF  }
0xc2: {  	(tm) =	ssettm $0x7FFFFFFF  }
0xc3: {  	_ =	shalt  }
tec
execute0_lowered:
.L_overlay_start_1:
0x0: {  	(tag) =	ssettag $0x1  }
0x1: {  	s0 =	srdreg.scid  }
0x2: {  	s3 =	stileid.u32;
	s1 =	rddreg [dreg:$0x0]  }
0x3: {  	s0 =	sand.u32 $0x1, s0;
	s2 =	sshll.u32 s3, $0x1;
	s23 =	smul.u32 $0x6800, s3  }
0x4: {  	s2 =	sor.u32 s0, s2;
	s6 =	ssub.s32 $0x2, s0;
	s0 =	smul.u32 $0x3400, s0  }
0x5: {  	s4 =	rddreg [dreg:$0x1];
	s5 =	simm.s32 $0x0;
	s7 =	sshrl.u32 s6, $0x1  }
0x6: {  	[smem:$0x7FF] =	sst s5;
	s6 =	ssub.s32 s6, s7;
	s0 =	sadd.s32 s0, s23  }
0x7: {  	_ =	strace $0x80000047;
	s24 =	smax.u32 s6, $0x1;
	[dreg:$0x3] =	wrdreg s0  }
0x8: {  	s25 =	sor.u32 $0x1A0, s0;
	[dreg:$0x5] =	wrdreg s24  }
0x9: {  	s26 =	sor.u32 $0x340, s0;
	[dreg:$0x6] =	wrdreg s25  }
0xa: {  	s28 =	sadd.s32 $0x4E0, s0;
	[dreg:$0x7] =	wrdreg s26  }
0xb: {  	s29 =	sadd.s32 $0x680, s0;
	[dreg:$0x8] =	wrdreg s28  }
0xc: {  	s2 =	smul.u32 $0x3400, s2;
	s30 =	sadd.s32 $0x820, s0;
	[dreg:$0x9] =	wrdreg s29  }
0xd: {  	s16 =	simm.s32 $0x1A0;
	s31 =	sadd.s32 $0x9C0, s0;
	[dreg:$0xa] =	wrdreg s30  }
0xe: {  	s2 =	sshrl.u32 s2, $0x3;
	s0 =	sadd.s32 $0xB60, s0;
	[dreg:$0xb] =	wrdreg s31  }
0xf: {  	s3 =	sadd.s32 $0x27AC800, s4;
	s1 =	sadd.s32 s1, s2;
	[dreg:$0xc] =	wrdreg s0  }
0x10: {  	v0 =	vlaneseq.u32;
	s4 =	sadd.s32 $0x400, s4;
	s2 =	simm.s32 $0x0;
	[dreg:$0x4] =	wrdreg s1  }
.LBB2_1:
0x11: {  	[dreg:$0xd] =	wrdreg s2;
	s0 =	simm.s32 $0x0  }
0x12: {  	s1 =	rddreg [dreg:$0x4];
	s24 =	simm.s32 $0x11;
	s25 =	simm.s32 $0x35A0  }
0x13: {  	[tilespmem:s0], [sflag:$0x11] =	stream.linear.gather [hbm4b:s1+s0], $0x3400, $0x38;
	[tilespmem:$0x13800] =	vst v63  }
0x14: {  	s26 =	simm.s32 $0x340;
	_ =	swait.ge [sflag:s24], $0x3400;
	[dreg:$0xf] =	wrdreg s25  }
0x15: {  	s31 =	simm.s32 $0x3740;
	[dreg:$0x10] =	wrdreg s26  }
0x16: {  	[dreg:$0x11] =	wrdreg s31  }
0x17: {  	s2 =	simm.s32 $0x3400;
	s6 =	simm.s32 $0x4E0;
	s19 =	rddreg [dreg:$0xc]  }
0x18: {  	s7 =	simm.s32 $0x38E0;
	s8 =	simm.s32 $0x680;
	s20 =	rddreg [dreg:$0xb]  }
0x19: {  	s9 =	simm.s32 $0x3A80;
	s10 =	simm.s32 $0x820;
	s21 =	rddreg [dreg:$0xa]  }
0x1a: {  	s11 =	simm.s32 $0x3C20;
	s12 =	simm.s32 $0x9C0;
	s22 =	rddreg [dreg:$0x9]  }
0x1b: {  	s13 =	simm.s32 $0x3DC0;
	s17 =	simm.s32 $0xB60;
	s23 =	rddreg [dreg:$0x8]  }
0x1c: {  	s18 =	simm.s32 $0x3F60;
	s29 =	simm.s32 $0x0;
	s25 =	rddreg [dreg:$0x6]  }
0x1d: {  	s30 =	simm.s32 $0x0;
	[sflag:s24] =	ssyncset.done $0x0;
	s28 =	rddreg [dreg:$0x3]  }
0x1e: {  	s26 =	simm.s32 $0x1A0;
	[sflag:s24] =	ssyncadd.s32 $0xFFFFCC00;
	s24 =	rddreg [dreg:$0x7]  }
.LBB2_2:
0x1f: {  	p0 =	seq.s32 s30, $0x0;
	v1 =	vmov s29;
	v2 =	vor.u32 s28, v0  }
0x20: {  	s0 =	simm.s32 @!p0 $0x9;
	v3 =	vmulhi.u32 $0x4EC4EC4F, v2  }
0x21: {  	_ =	swait.ge @!p0 [sflag:s0], $0x1A00  }
0x22: {  	[sflag:s0] =	ssyncset.done @!p0 $0x0;
	v4 =	vshrl.u32 v3, $0x3  }
0x23: {  	[sflag:s0] =	ssyncadd.s32 @!p0 $0xFFFFE600;
	s0 =	simm.s32 $0x0;
	v3 =	vmul.u32 $0xFFFFFFE6, v4  }
0x24: {  	v5 =	vld.idx.msk [tilespmem:v1+s0+$0x0 ss:$0x1], $0xffff  }
0x25: {  	v2 =	vadd.s32 v2, v3  }
0x26: {  	v6 =	vmul.u32 $0x186A0, v2;
	v7 =	vshll.u32 v2, $0x3;
	v2 =	vmov s2  }
0x27: {  	s1 =	smul.u32 $0xD00, s30  }
0x28: {  	s14 =	sadd.s32 $0x10, s28  }
0x29: {  	s5 =	sadd.s32 $0x3400, s1;
	[dreg:$0xe] =	wrdreg s2;
	v3 =	vor.u32 s14, v0;
	v5 =	vadd.s32 v6, v5;
	v6 =	vshll.u32 v4, $0x8  }
0x2a: {  	s15 =	simm.s32 $0x80;
	[dreg:$0x12] =	wrdreg s5;
	s5 =	simm.s32 $0x40;
	v4 =	vmulhi.u32 $0x4EC4EC4F, v3;
	[tilespmem:v1+s0+$0x0 ss:$0x1] =	vst.idx.msk $0xffff, v5;
	v5 =	vor.u32 v7, v6  }
.LBB2_3:
0x2b: {  	p1 =	sne.s32 s15, $0x640;
	[tilespmem:v2+s0+$0x0 ss:$0x1] =	vst.idx.msk $0xffff, v5;
	s0 =	sshra.s32 s5, $0x2;
	s5 =	smov.u32 s15  }
0x2c: {  	v4 =	vshrl.u32 v4, $0x3;
	v5 =	vld.idx.msk [tilespmem:v1+s0+$0x0 ss:$0x1], $0xffff  }
0x2d: {  	v6 =	vmul.u32 $0xFFFFFFE6, v4;
	_ =	sdelay $0x1  }
.Ltmp0:
0x2e: {  	v6 =	vadd.s32 v3, v6;
	(pc) =	sbr.rel @p1 .LBB2_3-.Ltmp0, $4  }
0x2f: {  	s14 =	sadd.s32 $0x10, s14;
	v7 =	vmul.u32 $0x186A0, v6  }
0x30: {  	v3 =	vor.u32 s14, v0  }
0x31: {  	v6 =	vshll.u32 v6, $0x3;
	v5 =	vadd.s32 v7, v5;
	v7 =	vshll.u32 v4, $0x8  }
0x32: {  	s15 =	sadd.s32 $0x40, s15;
	v4 =	vmulhi.u32 $0x4EC4EC4F, v3;
	[tilespmem:v1+s0+$0x0 ss:$0x1] =	vst.idx.msk $0xffff, v5;
	v5 =	vor.u32 v6, v7  }
0x33: {  	_ =	sdelay $0x3  }
0x34: {  	s2 =	sshra.s32 s5, $0x2;
	[tilespmem:v2+s0+$0x0 ss:$0x1] =	vst.idx.msk $0xffff, v5;
	v4 =	vshrl.u32 v4, $0x3  }
0x35: {  	v5 =	vld.idx.msk [tilespmem:v1+s2+$0x0 ss:$0x1], $0xffff;
	v6 =	vmul.u32 $0xFFFFFFE6, v4;
	_ =	sdelay $0x1  }
0x36: {  	v3 =	vadd.s32 v3, v6  }
0x37: {  	v6 =	vmul.u32 $0x186A0, v3;
	_ =	sdelay $0x1  }
0x38: {  	v4 =	vshll.u32 v4, $0x8;
	v3 =	vshll.u32 v3, $0x3;
	v5 =	vadd.s32 v6, v5  }
0x39: {  	[tilespmem:v1+s2+$0x0 ss:$0x1] =	vst.idx.msk $0xffff, v5;
	v1 =	vor.u32 v3, v4  }
0x3a: {  	s0 =	simm.s32 @!p0 $0xA;
	[tilespmem:v2+s2+$0x0 ss:$0x1] =	vst.idx.msk $0xffff, v1;
	s2 =	simm.s32 $0x6800;
	v1 =	vmov s26;
	v2 =	vor.u32 s25, v0  }
0x3b: {  	[tilespmem:s2], [sflag:$0x1] =	stream.indirect.gather [hbm4b:s3+s16], $0x10, s1, s16, $0xb8;
	v3 =	vmulhi.u32 $0x4EC4EC4F, v2;
	[tilespmem:$0x13800] =	vst v63  }
0x3c: {  	_ =	swait.ge @!p0 [sflag:s0], $0x1A00  }
0x3d: {  	[sflag:s0] =	ssyncset.done @!p0 $0x0;
	v4 =	vshrl.u32 v3, $0x3  }
0x3e: {  	s31 =	simm.s32 $0x0;
	[sflag:s0] =	ssyncadd.s32 @!p0 $0xFFFFE600;
	v3 =	vmul.u32 $0xFFFFFFE6, v4  }
0x3f: {  	v5 =	vld.idx.msk [tilespmem:v1+s31+$0x0 ss:$0x1], $0xffff  }
0x40: {  	s15 =	rddreg [dreg:$0xf];
	v2 =	vadd.s32 v2, v3  }
0x41: {  	v6 =	vmul.u32 $0x186A0, v2;
	v7 =	vshll.u32 v2, $0x3;
	v2 =	vmov s15;
	_ =	sdelay $0x1  }
0x42: {  	s14 =	sadd.s32 $0x10, s25;
	s5 =	sadd.s32 $0x35A0, s1  }
0x43: {  	[dreg:$0x13] =	wrdreg s5;
	v3 =	vor.u32 s14, v0;
	v5 =	vadd.s32 v6, v5;
	v6 =	vshll.u32 v4, $0x8  }
0x44: {  	s5 =	simm.s32 $0x40;
	s0 =	sadd.s32 $0x1A0, s1;
	s15 =	simm.s32 $0x80;
	v4 =	vmulhi.u32 $0x4EC4EC4F, v3;
	[tilespmem:v1+s31+$0x0 ss:$0x1] =	vst.idx.msk $0xffff, v5;
	v5 =	vor.u32 v7, v6  }
.LBB2_5:
0x45: {  	p1 =	sne.s32 s15, $0x640;
	[tilespmem:v2+s31+$0x0 ss:$0x1] =	vst.idx.msk $0xffff, v5;
	s31 =	sshra.s32 s5, $0x2;
	s5 =	smov.u32 s15  }
0x46: {  	v4 =	vshrl.u32 v4, $0x3;
	v5 =	vld.idx.msk [tilespmem:v1+s31+$0x0 ss:$0x1], $0xffff  }
0x47: {  	v6 =	vmul.u32 $0xFFFFFFE6, v4;
	_ =	sdelay $0x1  }
.Ltmp1:
0x48: {  	v6 =	vadd.s32 v3, v6;
	(pc) =	sbr.rel @p1 .LBB2_5-.Ltmp1, $4  }
0x49: {  	s14 =	sadd.s32 $0x10, s14;
	v7 =	vmul.u32 $0x186A0, v6  }
0x4a: {  	v3 =	vor.u32 s14, v0  }
0x4b: {  	v6 =	vshll.u32 v6, $0x3;
	v5 =	vadd.s32 v7, v5;
	v7 =	vshll.u32 v4, $0x8  }
0x4c: {  	s15 =	sadd.s32 $0x40, s15;
	v4 =	vmulhi.u32 $0x4EC4EC4F, v3;
	[tilespmem:v1+s31+$0x0 ss:$0x1] =	vst.idx.msk $0xffff, v5;
	v5 =	vor.u32 v6, v7  }
0x4d: {  	_ =	sdelay $0x3  }
0x4e: {  	s2 =	sshra.s32 s5, $0x2;
	[tilespmem:v2+s31+$0x0 ss:$0x1] =	vst.idx.msk $0xffff, v5;
	v4 =	vshrl.u32 v4, $0x3  }
0x4f: {  	v5 =	vld.idx.msk [tilespmem:v1+s2+$0x0 ss:$0x1], $0xffff;
	v6 =	vmul.u32 $0xFFFFFFE6, v4;
	_ =	sdelay $0x1  }
0x50: {  	v3 =	vadd.s32 v3, v6  }
0x51: {  	v6 =	vmul.u32 $0x186A0, v3;
	_ =	sdelay $0x1  }
0x52: {  	v4 =	vshll.u32 v4, $0x8;
	v3 =	vshll.u32 v3, $0x3;
	v5 =	vadd.s32 v6, v5  }
0x53: {  	[tilespmem:v1+s2+$0x0 ss:$0x1] =	vst.idx.msk $0xffff, v5;
	v1 =	vor.u32 v3, v4  }
0x54: {  	s15 =	simm.s32 $0x8200;
	[tilespmem:v2+s2+$0x0 ss:$0x1] =	vst.idx.msk $0xffff, v1;
	s2 =	rddreg [dreg:$0x10]  }
0x55: {  	v2 =	vor.u32 s24, v0;
	[tilespmem:s15], [sflag:$0x2] =	stream.indirect.gather [hbm4b:s3+s16], $0x10, s0, s16, $0xb8;
	v1 =	vmov s2;
	[tilespmem:$0x13800] =	vst v63  }
0x56: {  	s0 =	simm.s32 @!p0 $0xB;
	v3 =	vmulhi.u32 $0x4EC4EC4F, v2  }
0x57: {  	_ =	swait.ge @!p0 [sflag:s0], $0x1A00  }
0x58: {  	[sflag:s0] =	ssyncset.done @!p0 $0x0;
	v4 =	vshrl.u32 v3, $0x3  }
0x59: {  	s31 =	simm.s32 $0x0;
	[sflag:s0] =	ssyncadd.s32 @!p0 $0xFFFFE600;
	v3 =	vmul.u32 $0xFFFFFFE6, v4  }
0x5a: {  	v5 =	vld.idx.msk [tilespmem:v1+s31+$0x0 ss:$0x1], $0xffff  }
0x5b: {  	s15 =	rddreg [dreg:$0x11];
	v2 =	vadd.s32 v2, v3  }
0x5c: {  	v6 =	vmul.u32 $0x186A0, v2;
	v7 =	vshll.u32 v2, $0x3;
	v2 =	vmov s15;
	_ =	sdelay $0x1  }
0x5d: {  	s14 =	sadd.s32 $0x10, s24;
	s5 =	sadd.s32 $0x3740, s1  }
0x5e: {  	[dreg:$0x14] =	wrdreg s5;
	v3 =	vor.u32 s14, v0;
	v5 =	vadd.s32 v6, v5;
	v6 =	vshll.u32 v4, $0x8  }
0x5f: {  	s5 =	simm.s32 $0x40;
	s0 =	sadd.s32 $0x340, s1;
	s15 =	simm.s32 $0x80;
	v4 =	vmulhi.u32 $0x4EC4EC4F, v3;
	[tilespmem:v1+s31+$0x0 ss:$0x1] =	vst.idx.msk $0xffff, v5;
	v5 =	vor.u32 v7, v6  }
.LBB2_7:
0x60: {  	p1 =	sne.s32 s15, $0x640;
	[tilespmem:v2+s31+$0x0 ss:$0x1] =	vst.idx.msk $0xffff, v5;
	s31 =	sshra.s32 s5, $0x2;
	s5 =	smov.u32 s15  }
0x61: {  	v4 =	vshrl.u32 v4, $0x3;
	v5 =	vld.idx.msk [tilespmem:v1+s31+$0x0 ss:$0x1], $0xffff  }
0x62: {  	v6 =	vmul.u32 $0xFFFFFFE6, v4;
	_ =	sdelay $0x1  }
.Ltmp2:
0x63: {  	v6 =	vadd.s32 v3, v6;
	(pc) =	sbr.rel @p1 .LBB2_7-.Ltmp2, $4  }
0x64: {  	s14 =	sadd.s32 $0x10, s14;
	v7 =	vmul.u32 $0x186A0, v6  }
0x65: {  	v3 =	vor.u32 s14, v0  }
0x66: {  	v6 =	vshll.u32 v6, $0x3;
	v5 =	vadd.s32 v7, v5;
	v7 =	vshll.u32 v4, $0x8  }
0x67: {  	s15 =	sadd.s32 $0x40, s15;
	v4 =	vmulhi.u32 $0x4EC4EC4F, v3;
	[tilespmem:v1+s31+$0x0 ss:$0x1] =	vst.idx.msk $0xffff, v5;
	v5 =	vor.u32 v6, v7  }
0x68: {  	_ =	sdelay $0x3  }
0x69: {  	s2 =	sshra.s32 s5, $0x2;
	[tilespmem:v2+s31+$0x0 ss:$0x1] =	vst.idx.msk $0xffff, v5;
	v4 =	vshrl.u32 v4, $0x3  }
0x6a: {  	v5 =	vld.idx.msk [tilespmem:v1+s2+$0x0 ss:$0x1], $0xffff;
	v6 =	vmul.u32 $0xFFFFFFE6, v4;
	_ =	sdelay $0x1  }
0x6b: {  	v3 =	vadd.s32 v3, v6  }
0x6c: {  	v6 =	vmul.u32 $0x186A0, v3;
	_ =	sdelay $0x1  }
0x6d: {  	v4 =	vshll.u32 v4, $0x8;
	v3 =	vshll.u32 v3, $0x3;
	v5 =	vadd.s32 v6, v5  }
0x6e: {  	[tilespmem:v1+s2+$0x0 ss:$0x1] =	vst.idx.msk $0xffff, v5;
	v1 =	vor.u32 v3, v4  }
0x6f: {  	s14 =	simm.s32 $0x9C00;
	[tilespmem:v2+s2+$0x0 ss:$0x1] =	vst.idx.msk $0xffff, v1  }
0x70: {  	v1 =	vmov s6;
	v2 =	vor.u32 s23, v0;
	[tilespmem:s14], [sflag:$0x3] =	stream.indirect.gather [hbm4b:s3+s16], $0x10, s0, s16, $0xb8;
	[tilespmem:$0x13800] =	vst v63  }
0x71: {  	s0 =	simm.s32 @!p0 $0xC;
	v3 =	vmulhi.u32 $0x4EC4EC4F, v2  }
0x72: {  	_ =	swait.ge @!p0 [sflag:s0], $0x1A00  }
0x73: {  	[sflag:s0] =	ssyncset.done @!p0 $0x0;
	v4 =	vshrl.u32 v3, $0x3  }
0x74: {  	s31 =	simm.s32 $0x0;
	[sflag:s0] =	ssyncadd.s32 @!p0 $0xFFFFE600;
	v3 =	vmul.u32 $0xFFFFFFE6, v4  }
0x75: {  	v5 =	vld.idx.msk [tilespmem:v1+s31+$0x0 ss:$0x1], $0xffff  }
0x76: {  	v2 =	vadd.s32 v2, v3  }
0x77: {  	v6 =	vmul.u32 $0x186A0, v2;
	v7 =	vshll.u32 v2, $0x3;
	v2 =	vmov s7;
	_ =	sdelay $0x1  }
0x78: {  	s14 =	sadd.s32 $0x10, s23  }
0x79: {  	s15 =	sadd.s32 $0x38E0, s1;
	s5 =	simm.s32 $0x40;
	v3 =	vor.u32 s14, v0;
	v5 =	vadd.s32 v6, v5;
	v6 =	vshll.u32 v4, $0x8  }
0x7a: {  	[dreg:$0x15] =	wrdreg s15;
	s15 =	simm.s32 $0x80;
	s0 =	sadd.s32 $0x4E0, s1;
	v4 =	vmulhi.u32 $0x4EC4EC4F, v3;
	[tilespmem:v1+s31+$0x0 ss:$0x1] =	vst.idx.msk $0xffff, v5;
	v5 =	vor.u32 v7, v6  }
.LBB2_9:
0x7b: {  	p1 =	sne.s32 s15, $0x640;
	[tilespmem:v2+s31+$0x0 ss:$0x1] =	vst.idx.msk $0xffff, v5;
	s31 =	sshra.s32 s5, $0x2;
	s5 =	smov.u32 s15  }
0x7c: {  	v4 =	vshrl.u32 v4, $0x3;
	v5 =	vld.idx.msk [tilespmem:v1+s31+$0x0 ss:$0x1], $0xffff  }
0x7d: {  	v6 =	vmul.u32 $0xFFFFFFE6, v4;
	_ =	sdelay $0x1  }
.Ltmp3:
0x7e: {  	v6 =	vadd.s32 v3, v6;
	(pc) =	sbr.rel @p1 .LBB2_9-.Ltmp3, $4  }
0x7f: {  	s14 =	sadd.s32 $0x10, s14;
	v7 =	vmul.u32 $0x186A0, v6  }
0x80: {  	v3 =	vor.u32 s14, v0  }
0x81: {  	v6 =	vshll.u32 v6, $0x3;
	v5 =	vadd.s32 v7, v5;
	v7 =	vshll.u32 v4, $0x8  }
0x82: {  	s15 =	sadd.s32 $0x40, s15;
	v4 =	vmulhi.u32 $0x4EC4EC4F, v3;
	[tilespmem:v1+s31+$0x0 ss:$0x1] =	vst.idx.msk $0xffff, v5;
	v5 =	vor.u32 v6, v7  }
0x83: {  	_ =	sdelay $0x3  }
0x84: {  	s2 =	sshra.s32 s5, $0x2;
	[tilespmem:v2+s31+$0x0 ss:$0x1] =	vst.idx.msk $0xffff, v5;
	v4 =	vshrl.u32 v4, $0x3  }
0x85: {  	v5 =	vld.idx.msk [tilespmem:v1+s2+$0x0 ss:$0x1], $0xffff;
	v6 =	vmul.u32 $0xFFFFFFE6, v4;
	_ =	sdelay $0x1  }
0x86: {  	v3 =	vadd.s32 v3, v6  }
0x87: {  	v6 =	vmul.u32 $0x186A0, v3;
	_ =	sdelay $0x1  }
0x88: {  	v4 =	vshll.u32 v4, $0x8;
	v3 =	vshll.u32 v3, $0x3;
	v5 =	vadd.s32 v6, v5  }
0x89: {  	[tilespmem:v1+s2+$0x0 ss:$0x1] =	vst.idx.msk $0xffff, v5;
	v1 =	vor.u32 v3, v4  }
0x8a: {  	s14 =	simm.s32 $0xB600;
	[tilespmem:v2+s2+$0x0 ss:$0x1] =	vst.idx.msk $0xffff, v1  }
0x8b: {  	v1 =	vmov s8;
	v2 =	vor.u32 s22, v0;
	[tilespmem:s14], [sflag:$0x4] =	stream.indirect.gather [hbm4b:s3+s16], $0x10, s0, s16, $0xb8;
	[tilespmem:$0x13800] =	vst v63  }
0x8c: {  	s0 =	simm.s32 @!p0 $0xD;
	v3 =	vmulhi.u32 $0x4EC4EC4F, v2  }
0x8d: {  	_ =	swait.ge @!p0 [sflag:s0], $0x1A00  }
0x8e: {  	[sflag:s0] =	ssyncset.done @!p0 $0x0;
	v4 =	vshrl.u32 v3, $0x3  }
0x8f: {  	s31 =	simm.s32 $0x0;
	[sflag:s0] =	ssyncadd.s32 @!p0 $0xFFFFE600;
	v3 =	vmul.u32 $0xFFFFFFE6, v4  }
0x90: {  	v5 =	vld.idx.msk [tilespmem:v1+s31+$0x0 ss:$0x1], $0xffff  }
0x91: {  	v2 =	vadd.s32 v2, v3  }
0x92: {  	v6 =	vmul.u32 $0x186A0, v2;
	v7 =	vshll.u32 v2, $0x3;
	v2 =	vmov s9;
	_ =	sdelay $0x1  }
0x93: {  	s14 =	sadd.s32 $0x10, s22  }
0x94: {  	s15 =	sadd.s32 $0x3A80, s1;
	s5 =	simm.s32 $0x40;
	v3 =	vor.u32 s14, v0;
	v5 =	vadd.s32 v6, v5;
	v6 =	vshll.u32 v4, $0x8  }
0x95: {  	[dreg:$0x16] =	wrdreg s15;
	s15 =	simm.s32 $0x80;
	s0 =	sadd.s32 $0x680, s1;
	v4 =	vmulhi.u32 $0x4EC4EC4F, v3;
	[tilespmem:v1+s31+$0x0 ss:$0x1] =	vst.idx.msk $0xffff, v5;
	v5 =	vor.u32 v7, v6  }
.LBB2_11:
0x96: {  	p1 =	sne.s32 s15, $0x640;
	[tilespmem:v2+s31+$0x0 ss:$0x1] =	vst.idx.msk $0xffff, v5;
	s31 =	sshra.s32 s5, $0x2;
	s5 =	smov.u32 s15  }
0x97: {  	v4 =	vshrl.u32 v4, $0x3;
	v5 =	vld.idx.msk [tilespmem:v1+s31+$0x0 ss:$0x1], $0xffff  }
0x98: {  	v6 =	vmul.u32 $0xFFFFFFE6, v4;
	_ =	sdelay $0x1  }
.Ltmp4:
0x99: {  	v6 =	vadd.s32 v3, v6;
	(pc) =	sbr.rel @p1 .LBB2_11-.Ltmp4, $4  }
0x9a: {  	s14 =	sadd.s32 $0x10, s14;
	v7 =	vmul.u32 $0x186A0, v6  }
0x9b: {  	v3 =	vor.u32 s14, v0  }
0x9c: {  	v6 =	vshll.u32 v6, $0x3;
	v5 =	vadd.s32 v7, v5;
	v7 =	vshll.u32 v4, $0x8  }
0x9d: {  	s15 =	sadd.s32 $0x40, s15;
	v4 =	vmulhi.u32 $0x4EC4EC4F, v3;
	[tilespmem:v1+s31+$0x0 ss:$0x1] =	vst.idx.msk $0xffff, v5;
	v5 =	vor.u32 v6, v7  }
0x9e: {  	_ =	sdelay $0x3  }
0x9f: {  	s2 =	sshra.s32 s5, $0x2;
	[tilespmem:v2+s31+$0x0 ss:$0x1] =	vst.idx.msk $0xffff, v5;
	v4 =	vshrl.u32 v4, $0x3  }
0xa0: {  	v5 =	vld.idx.msk [tilespmem:v1+s2+$0x0 ss:$0x1], $0xffff;
	v6 =	vmul.u32 $0xFFFFFFE6, v4;
	_ =	sdelay $0x1  }
0xa1: {  	v3 =	vadd.s32 v3, v6  }
0xa2: {  	v6 =	vmul.u32 $0x186A0, v3;
	_ =	sdelay $0x1  }
0xa3: {  	v4 =	vshll.u32 v4, $0x8;
	v3 =	vshll.u32 v3, $0x3;
	v5 =	vadd.s32 v6, v5  }
0xa4: {  	[tilespmem:v1+s2+$0x0 ss:$0x1] =	vst.idx.msk $0xffff, v5;
	v1 =	vor.u32 v3, v4  }
0xa5: {  	s14 =	simm.s32 $0xD000;
	[tilespmem:v2+s2+$0x0 ss:$0x1] =	vst.idx.msk $0xffff, v1  }
0xa6: {  	v1 =	vmov s10;
	v2 =	vor.u32 s21, v0;
	[tilespmem:s14], [sflag:$0x5] =	stream.indirect.gather [hbm4b:s3+s16], $0x10, s0, s16, $0xb8;
	[tilespmem:$0x13800] =	vst v63  }
0xa7: {  	s0 =	simm.s32 @!p0 $0xE;
	v3 =	vmulhi.u32 $0x4EC4EC4F, v2  }
0xa8: {  	_ =	swait.ge @!p0 [sflag:s0], $0x1A00  }
0xa9: {  	[sflag:s0] =	ssyncset.done @!p0 $0x0;
	v4 =	vshrl.u32 v3, $0x3  }
0xaa: {  	[sflag:s0] =	ssyncadd.s32 @!p0 $0xFFFFE600;
	s0 =	simm.s32 $0x0;
	v3 =	vmul.u32 $0xFFFFFFE6, v4  }
0xab: {  	v5 =	vld.idx.msk [tilespmem:v1+s0+$0x0 ss:$0x1], $0xffff  }
0xac: {  	v2 =	vadd.s32 v2, v3  }
0xad: {  	v6 =	vmul.u32 $0x186A0, v2;
	v7 =	vshll.u32 v2, $0x3;
	v2 =	vmov s11;
	_ =	sdelay $0x1  }
0xae: {  	s14 =	sadd.s32 $0x10, s21  }
0xaf: {  	s31 =	sadd.s32 $0x820, s1;
	s15 =	sadd.s32 $0x3C20, s1;
	v3 =	vor.u32 s14, v0;
	v5 =	vadd.s32 v6, v5;
	v6 =	vshll.u32 v4, $0x8  }
0xb0: {  	s5 =	simm.s32 $0x40;
	[dreg:$0x17] =	wrdreg s15;
	s15 =	simm.s32 $0x80;
	v4 =	vmulhi.u32 $0x4EC4EC4F, v3;
	[tilespmem:v1+s0+$0x0 ss:$0x1] =	vst.idx.msk $0xffff, v5;
	v5 =	vor.u32 v7, v6  }
.LBB2_13:
0xb1: {  	p1 =	sne.s32 s15, $0x640;
	[tilespmem:v2+s0+$0x0 ss:$0x1] =	vst.idx.msk $0xffff, v5;
	s0 =	sshra.s32 s5, $0x2;
	s5 =	smov.u32 s15  }
0xb2: {  	v4 =	vshrl.u32 v4, $0x3;
	v5 =	vld.idx.msk [tilespmem:v1+s0+$0x0 ss:$0x1], $0xffff  }
0xb3: {  	v6 =	vmul.u32 $0xFFFFFFE6, v4;
	_ =	sdelay $0x1  }
.Ltmp5:
0xb4: {  	v6 =	vadd.s32 v3, v6;
	(pc) =	sbr.rel @p1 .LBB2_13-.Ltmp5, $4  }
0xb5: {  	s14 =	sadd.s32 $0x10, s14;
	v7 =	vmul.u32 $0x186A0, v6  }
0xb6: {  	v3 =	vor.u32 s14, v0  }
0xb7: {  	v6 =	vshll.u32 v6, $0x3;
	v5 =	vadd.s32 v7, v5;
	v7 =	vshll.u32 v4, $0x8  }
0xb8: {  	s15 =	sadd.s32 $0x40, s15;
	v4 =	vmulhi.u32 $0x4EC4EC4F, v3;
	[tilespmem:v1+s0+$0x0 ss:$0x1] =	vst.idx.msk $0xffff, v5;
	v5 =	vor.u32 v6, v7  }
0xb9: {  	_ =	sdelay $0x3  }
0xba: {  	s2 =	sshra.s32 s5, $0x2;
	[tilespmem:v2+s0+$0x0 ss:$0x1] =	vst.idx.msk $0xffff, v5;
	v4 =	vshrl.u32 v4, $0x3  }
0xbb: {  	v5 =	vld.idx.msk [tilespmem:v1+s2+$0x0 ss:$0x1], $0xffff;
	v6 =	vmul.u32 $0xFFFFFFE6, v4;
	_ =	sdelay $0x1  }
0xbc: {  	v3 =	vadd.s32 v3, v6  }
0xbd: {  	v6 =	vmul.u32 $0x186A0, v3;
	_ =	sdelay $0x1  }
0xbe: {  	v4 =	vshll.u32 v4, $0x8;
	v3 =	vshll.u32 v3, $0x3;
	v5 =	vadd.s32 v6, v5  }
0xbf: {  	[tilespmem:v1+s2+$0x0 ss:$0x1] =	vst.idx.msk $0xffff, v5;
	v1 =	vor.u32 v3, v4  }
0xc0: {  	s15 =	simm.s32 $0xEA00;
	s0 =	simm.s32 @!p0 $0xF;
	[tilespmem:v2+s2+$0x0 ss:$0x1] =	vst.idx.msk $0xffff, v1;
	v1 =	vmov s12;
	v2 =	vor.u32 s20, v0  }
0xc1: {  	[tilespmem:s15], [sflag:$0x6] =	stream.indirect.gather [hbm4b:s3+s16], $0x10, s31, s16, $0xb8;
	v3 =	vmulhi.u32 $0x4EC4EC4F, v2;
	[tilespmem:$0x13800] =	vst v63  }
0xc2: {  	_ =	swait.ge @!p0 [sflag:s0], $0x1A00  }
0xc3: {  	[sflag:s0] =	ssyncset.done @!p0 $0x0;
	v4 =	vshrl.u32 v3, $0x3  }
0xc4: {  	s14 =	simm.s32 $0x0;
	[sflag:s0] =	ssyncadd.s32 @!p0 $0xFFFFE600;
	v3 =	vmul.u32 $0xFFFFFFE6, v4  }
0xc5: {  	v5 =	vld.idx.msk [tilespmem:v1+s14+$0x0 ss:$0x1], $0xffff  }
0xc6: {  	v2 =	vadd.s32 v2, v3  }
0xc7: {  	v6 =	vmul.u32 $0x186A0, v2;
	v7 =	vshll.u32 v2, $0x3;
	v2 =	vmov s13;
	_ =	sdelay $0x1  }
0xc8: {  	s5 =	sadd.s32 $0x10, s20  }
0xc9: {  	s2 =	simm.s32 $0x80;
	v3 =	vor.u32 s5, v0;
	v5 =	vadd.s32 v6, v5;
	v6 =	vshll.u32 v4, $0x8  }
0xca: {  	s31 =	sadd.s32 $0x3DC0, s1;
	s15 =	simm.s32 $0x40;
	s0 =	sadd.s32 $0x9C0, s1;
	v4 =	vmulhi.u32 $0x4EC4EC4F, v3;
	[tilespmem:v1+s14+$0x0 ss:$0x1] =	vst.idx.msk $0xffff, v5;
	v5 =	vor.u32 v7, v6  }
.LBB2_15:
0xcb: {  	p1 =	sne.s32 s2, $0x640;
	[tilespmem:v2+s14+$0x0 ss:$0x1] =	vst.idx.msk $0xffff, v5;
	s14 =	sshra.s32 s15, $0x2;
	s15 =	smov.u32 s2  }
0xcc: {  	v4 =	vshrl.u32 v4, $0x3;
	v5 =	vld.idx.msk [tilespmem:v1+s14+$0x0 ss:$0x1], $0xffff  }
0xcd: {  	v6 =	vmul.u32 $0xFFFFFFE6, v4;
	_ =	sdelay $0x1  }
.Ltmp6:
0xce: {  	v6 =	vadd.s32 v3, v6;
	(pc) =	sbr.rel @p1 .LBB2_15-.Ltmp6, $4  }
0xcf: {  	s5 =	sadd.s32 $0x10, s5;
	v7 =	vmul.u32 $0x186A0, v6  }
0xd0: {  	v3 =	vor.u32 s5, v0  }
0xd1: {  	v6 =	vshll.u32 v6, $0x3;
	v5 =	vadd.s32 v7, v5;
	v7 =	vshll.u32 v4, $0x8  }
0xd2: {  	s2 =	sadd.s32 $0x40, s2;
	v4 =	vmulhi.u32 $0x4EC4EC4F, v3;
	[tilespmem:v1+s14+$0x0 ss:$0x1] =	vst.idx.msk $0xffff, v5;
	v5 =	vor.u32 v6, v7  }
0xd3: {  	_ =	sdelay $0x3  }
0xd4: {  	s2 =	sshra.s32 s15, $0x2;
	[tilespmem:v2+s14+$0x0 ss:$0x1] =	vst.idx.msk $0xffff, v5;
	v4 =	vshrl.u32 v4, $0x3  }
0xd5: {  	v5 =	vld.idx.msk [tilespmem:v1+s2+$0x0 ss:$0x1], $0xffff;
	v6 =	vmul.u32 $0xFFFFFFE6, v4;
	_ =	sdelay $0x1  }
0xd6: {  	v3 =	vadd.s32 v3, v6  }
0xd7: {  	v6 =	vmul.u32 $0x186A0, v3;
	_ =	sdelay $0x1  }
0xd8: {  	v4 =	vshll.u32 v4, $0x8;
	v3 =	vshll.u32 v3, $0x3;
	v5 =	vadd.s32 v6, v5  }
0xd9: {  	[tilespmem:v1+s2+$0x0 ss:$0x1] =	vst.idx.msk $0xffff, v5;
	v1 =	vor.u32 v3, v4  }
0xda: {  	s15 =	simm.s32 $0x10400;
	[tilespmem:v2+s2+$0x0 ss:$0x1] =	vst.idx.msk $0xffff, v1  }
0xdb: {  	v1 =	vmov s17;
	v2 =	vor.u32 s19, v0;
	[tilespmem:s15], [sflag:$0x7] =	stream.indirect.gather [hbm4b:s3+s16], $0x10, s0, s16, $0xb8;
	[tilespmem:$0x13800] =	vst v63  }
0xdc: {  	s0 =	simm.s32 @!p0 $0x10;
	v3 =	vmulhi.u32 $0x4EC4EC4F, v2  }
0xdd: {  	_ =	swait.ge @!p0 [sflag:s0], $0x1A00  }
0xde: {  	[sflag:s0] =	ssyncset.done @!p0 $0x0;
	v4 =	vshrl.u32 v3, $0x3  }
0xdf: {  	s14 =	simm.s32 $0x0;
	[sflag:s0] =	ssyncadd.s32 @!p0 $0xFFFFE600;
	v3 =	vmul.u32 $0xFFFFFFE6, v4  }
0xe0: {  	v5 =	vld.idx.msk [tilespmem:v1+s14+$0x0 ss:$0x1], $0xffff  }
0xe1: {  	v2 =	vadd.s32 v2, v3  }
0xe2: {  	v6 =	vmul.u32 $0x186A0, v2;
	v7 =	vshll.u32 v2, $0x3;
	v2 =	vmov s18;
	_ =	sdelay $0x1  }
0xe3: {  	s5 =	sadd.s32 $0x10, s19  }
0xe4: {  	s2 =	simm.s32 $0x80;
	v3 =	vor.u32 s5, v0;
	v5 =	vadd.s32 v6, v5;
	v6 =	vshll.u32 v4, $0x8  }
0xe5: {  	s15 =	simm.s32 $0x40;
	s0 =	sadd.s32 $0xB60, s1;
	s1 =	sadd.s32 $0x3F60, s1;
	v4 =	vmulhi.u32 $0x4EC4EC4F, v3;
	[tilespmem:v1+s14+$0x0 ss:$0x1] =	vst.idx.msk $0xffff, v5;
	v5 =	vor.u32 v7, v6  }
.LBB2_17:
0xe6: {  	p0 =	sne.s32 s2, $0x640;
	[tilespmem:v2+s14+$0x0 ss:$0x1] =	vst.idx.msk $0xffff, v5;
	s14 =	sshra.s32 s15, $0x2;
	s15 =	smov.u32 s2  }
0xe7: {  	v4 =	vshrl.u32 v4, $0x3;
	v5 =	vld.idx.msk [tilespmem:v1+s14+$0x0 ss:$0x1], $0xffff  }
0xe8: {  	v6 =	vmul.u32 $0xFFFFFFE6, v4;
	_ =	sdelay $0x1  }
.Ltmp7:
0xe9: {  	v6 =	vadd.s32 v3, v6;
	(pc) =	sbr.rel @p0 .LBB2_17-.Ltmp7, $4  }
0xea: {  	s5 =	sadd.s32 $0x10, s5;
	v7 =	vmul.u32 $0x186A0, v6  }
0xeb: {  	v3 =	vor.u32 s5, v0  }
0xec: {  	v6 =	vshll.u32 v6, $0x3;
	v5 =	vadd.s32 v7, v5;
	v7 =	vshll.u32 v4, $0x8  }
0xed: {  	s2 =	sadd.s32 $0x40, s2;
	v4 =	vmulhi.u32 $0x4EC4EC4F, v3;
	[tilespmem:v1+s14+$0x0 ss:$0x1] =	vst.idx.msk $0xffff, v5;
	v5 =	vor.u32 v6, v7  }
0xee: {  	_ =	sdelay $0x3  }
0xef: {  	[tilespmem:v2+s14+$0x0 ss:$0x1] =	vst.idx.msk $0xffff, v5;
	s2 =	sshra.s32 s15, $0x2;
	v4 =	vshrl.u32 v4, $0x3  }
0xf0: {  	v5 =	vld.idx.msk [tilespmem:v1+s2+$0x0 ss:$0x1], $0xffff;
	v6 =	vmul.u32 $0xFFFFFFE6, v4;
	_ =	sdelay $0x1  }
0xf1: {  	v3 =	vadd.s32 v3, v6  }
0xf2: {  	v6 =	vmul.u32 $0x186A0, v3;
	_ =	sdelay $0x1  }
0xf3: {  	v4 =	vshll.u32 v4, $0x8;
	v3 =	vshll.u32 v3, $0x3;
	v5 =	vadd.s32 v6, v5  }
0xf4: {  	[tilespmem:v1+s2+$0x0 ss:$0x1] =	vst.idx.msk $0xffff, v5;
	v1 =	vor.u32 v3, v4  }
0xf5: {  	s14 =	simm.s32 $0x1;
	[tilespmem:v2+s2+$0x0 ss:$0x1] =	vst.idx.msk $0xffff, v1;
	s2 =	simm.s32 $0x11E00  }
0xf6: {  	[tilespmem:s2], [sflag:$0x8] =	stream.indirect.gather [hbm4b:s3+s16], $0x10, s0, s16, $0xb8;
	[tilespmem:$0x13800] =	vst v63  }
0xf7: {  	_ =	swait.ge [sflag:s14], $0x1A00  }
0xf8: {  	[sflag:s14] =	ssyncset.done $0x0  }
0xf9: {  	s15 =	simm.s32 $0x6800;
	s5 =	rddreg [dreg:$0x12];
	[sflag:s14] =	ssyncadd.s32 $0xFFFFE600  }
0xfa: {  	[hbm4b:s4+s16] =	stream.indirect.scatter [tilespmem:s15], [sflag:$0x9], $0x10, s5, s16, $0xb8;
	[tilespmem:$0x13800] =	vst v63  }
0xfb: {  	s5 =	simm.s32 $0x2  }
0xfc: {  	_ =	swait.ge [sflag:s5], $0x1A00  }
0xfd: {  	s14 =	simm.s32 $0x8200;
	[sflag:s5] =	ssyncset.done $0x0  }
0xfe: {  	s15 =	rddreg [dreg:$0x13];
	[sflag:s5] =	ssyncadd.s32 $0xFFFFE600;
	s5 =	simm.s32 $0x3  }
0xff: {  	[hbm4b:s4+s16] =	stream.indirect.scatter [tilespmem:s14], [sflag:$0xA], $0x10, s15, s16, $0xb8;
	[tilespmem:$0x13800] =	vst v63  }
0x100: {  	_ =	swait.ge [sflag:s5], $0x1A00  }
0x101: {  	s14 =	simm.s32 $0x9C00;
	[sflag:s5] =	ssyncset.done $0x0  }
0x102: {  	s15 =	rddreg [dreg:$0x14];
	[sflag:s5] =	ssyncadd.s32 $0xFFFFE600;
	s5 =	simm.s32 $0x4  }
0x103: {  	[hbm4b:s4+s16] =	stream.indirect.scatter [tilespmem:s14], [sflag:$0xB], $0x10, s15, s16, $0xb8;
	[tilespmem:$0x13800] =	vst v63  }
0x104: {  	_ =	swait.ge [sflag:s5], $0x1A00  }
0x105: {  	s14 =	simm.s32 $0xB600;
	[sflag:s5] =	ssyncset.done $0x0  }
0x106: {  	s15 =	rddreg [dreg:$0x15];
	[sflag:s5] =	ssyncadd.s32 $0xFFFFE600;
	s5 =	simm.s32 $0x5  }
0x107: {  	[hbm4b:s4+s16] =	stream.indirect.scatter [tilespmem:s14], [sflag:$0xC], $0x10, s15, s16, $0xb8;
	[tilespmem:$0x13800] =	vst v63  }
0x108: {  	_ =	swait.ge [sflag:s5], $0x1A00  }
0x109: {  	s14 =	simm.s32 $0xD000;
	[sflag:s5] =	ssyncset.done $0x0  }
0x10a: {  	s15 =	rddreg [dreg:$0x16];
	[sflag:s5] =	ssyncadd.s32 $0xFFFFE600;
	s5 =	simm.s32 $0x6  }
0x10b: {  	[hbm4b:s4+s16] =	stream.indirect.scatter [tilespmem:s14], [sflag:$0xD], $0x10, s15, s16, $0xb8;
	[tilespmem:$0x13800] =	vst v63  }
0x10c: {  	s30 =	sadd.s32 $0x1, s30;
	s29 =	sadd.s32 $0xD00, s29;
	_ =	swait.ge [sflag:s5], $0x1A00  }
0x10d: {  	s28 =	sadd.s32 $0xD00, s28;
	s26 =	sadd.s32 $0xD00, s26;
	[sflag:s5] =	ssyncset.done $0x0  }
0x10e: {  	s14 =	simm.s32 $0xEA00;
	s15 =	rddreg [dreg:$0x17];
	[sflag:s5] =	ssyncadd.s32 $0xFFFFE600  }
0x10f: {  	[hbm4b:s4+s16] =	stream.indirect.scatter [tilespmem:s14], [sflag:$0xE], $0x10, s15, s16, $0xb8;
	[tilespmem:$0x13800] =	vst v63  }
0x110: {  	s25 =	sadd.s32 $0xD00, s25;
	s24 =	sadd.s32 $0xD00, s24;
	s14 =	simm.s32 $0x7  }
0x111: {  	s6 =	sadd.s32 $0xD00, s6;
	s7 =	sadd.s32 $0xD00, s7;
	_ =	swait.ge [sflag:s14], $0x1A00  }
0x112: {  	s23 =	sadd.s32 $0xD00, s23;
	s8 =	sadd.s32 $0xD00, s8;
	[sflag:s14] =	ssyncset.done $0x0  }
0x113: {  	s9 =	sadd.s32 $0xD00, s9;
	s15 =	simm.s32 $0x10400;
	[sflag:s14] =	ssyncadd.s32 $0xFFFFE600  }
0x114: {  	[hbm4b:s4+s16] =	stream.indirect.scatter [tilespmem:s15], [sflag:$0xF], $0x10, s31, s16, $0xb8;
	[tilespmem:$0x13800] =	vst v63  }
0x115: {  	s22 =	sadd.s32 $0xD00, s22;
	s10 =	sadd.s32 $0xD00, s10;
	s31 =	simm.s32 $0x8  }
0x116: {  	s11 =	sadd.s32 $0xD00, s11;
	s21 =	sadd.s32 $0xD00, s21;
	_ =	swait.ge [sflag:s31], $0x1A00  }
0x117: {  	s12 =	sadd.s32 $0xD00, s12;
	s13 =	sadd.s32 $0xD00, s13;
	s5 =	rddreg [dreg:$0xe]  }
0x118: {  	s20 =	sadd.s32 $0xD00, s20;
	[sflag:s31] =	ssyncset.done $0x0;
	s14 =	rddreg [dreg:$0xf]  }
0x119: {  	p0 =	sne.s32 s30, $0x4;
	s15 =	rddreg [dreg:$0x10];
	[sflag:s31] =	ssyncadd.s32 $0xFFFFE600  }
.Ltmp8:
0x11a: {  	s0 =	sadd.s32 $0xD00, s14;
	s31 =	rddreg [dreg:$0x11];
	(pc) =	sbr.rel @p0 .LBB2_2-.Ltmp8, $4  }
0x11b: {  	[hbm4b:s4+s16] =	stream.indirect.scatter [tilespmem:s2], [sflag:$0x10], $0x10, s1, s16, $0xb8;
	[tilespmem:$0x13800] =	vst v63  }
0x11c: {  	s17 =	sadd.s32 $0xD00, s17;
	[dreg:$0xf] =	wrdreg s0;
	s0 =	sadd.s32 $0xD00, s15  }
0x11d: {  	s18 =	sadd.s32 $0xD00, s18;
	[dreg:$0x10] =	wrdreg s0;
	s0 =	sadd.s32 $0xD00, s31  }
0x11e: {  	s19 =	sadd.s32 $0xD00, s19;
	s2 =	sadd.s32 $0xD00, s5;
	[dreg:$0x11] =	wrdreg s0  }
0x11f: {  	s0 =	simm.s32 $0x9  }
0x120: {  	_ =	swait.ge [sflag:s0], $0x1A00  }
0x121: {  	[sflag:s0] =	ssyncset.done $0x0  }
0x122: {  	s24 =	simm.s32 $0xA;
	[sflag:s0] =	ssyncadd.s32 $0xFFFFE600  }
0x123: {  	_ =	swait.ge [sflag:s24], $0x1A00  }
0x124: {  	[sflag:s24] =	ssyncset.done $0x0  }
0x125: {  	s25 =	simm.s32 $0xB;
	[sflag:s24] =	ssyncadd.s32 $0xFFFFE600  }
0x126: {  	_ =	swait.ge [sflag:s25], $0x1A00  }
0x127: {  	[sflag:s25] =	ssyncset.done $0x0  }
0x128: {  	s26 =	simm.s32 $0xC;
	[sflag:s25] =	ssyncadd.s32 $0xFFFFE600  }
0x129: {  	_ =	swait.ge [sflag:s26], $0x1A00  }
0x12a: {  	[sflag:s26] =	ssyncset.done $0x0  }
0x12b: {  	s28 =	simm.s32 $0xD;
	[sflag:s26] =	ssyncadd.s32 $0xFFFFE600  }
0x12c: {  	_ =	swait.ge [sflag:s28], $0x1A00  }
0x12d: {  	[sflag:s28] =	ssyncset.done $0x0  }
0x12e: {  	s29 =	simm.s32 $0xE;
	[sflag:s28] =	ssyncadd.s32 $0xFFFFE600  }
0x12f: {  	_ =	swait.ge [sflag:s29], $0x1A00  }
0x130: {  	[sflag:s29] =	ssyncset.done $0x0  }
0x131: {  	s30 =	simm.s32 $0xF;
	[sflag:s29] =	ssyncadd.s32 $0xFFFFE600  }
0x132: {  	_ =	swait.ge [sflag:s30], $0x1A00  }
0x133: {  	[sflag:s30] =	ssyncset.done $0x0  }
0x134: {  	s1 =	simm.s32 $0x10;
	[sflag:s30] =	ssyncadd.s32 $0xFFFFE600  }
0x135: {  	_ =	swait.ge [sflag:s1], $0x1A00  }
0x136: {  	s2 =	rddreg [dreg:$0xd]  }
0x137: {  	s31 =	rddreg [dreg:$0x5];
	s2 =	sadd.s32 $0x1, s2  }
0x138: {  	p0 =	sne.s32 s2, s31  }
.Ltmp9:
0x139: {  	_ = 	snop;
	(pc) =	sbr.rel @p0 .LBB2_1-.Ltmp9, $3  }
0x13a: {  	_ =	sdelay $0x1  }
0x13b: {  	[sflag:s1] =	ssyncset.done $0x0  }
0x13c: {  	[sflag:s1] =	ssyncadd.s32 $0xFFFFE600  }
0x13d: {  	_ =	sfence.sel $0x180000  }
0x13e: {  	[bflag:$0x0] =	sbarrier.arrive $0xFFFF  }
0x13f: {  	_ =	strace $0x90000047  }
0x140: {  	s0 =	stileid.u32;
	[bflag:$0x2] =	sbarrier.arrive $0xFFFF  }
0x141: {  	p0 =	sne.s32 s0, $0x0;
	s0 =	rddreg [dreg:$0x2]  }
0x142: {  	s0 =	sadd.s32 @!p0 $0x100000, s0  }
0x143: {  	[sflag:s0] =	ssyncadd.tile.s32 @!p0 $0x1;
	_ =	shalt  }
.Lfunc_end2:
_tile_overlayer_lowered:
.L_overlay_start_2:
0x144: {  	(tag) =	ssettag $0x2  }
0x145: {  	s0 =	rddreg [dreg:$0x0];
	s2 =	stileid.u32  }
0x146: {  	s1 =	rddreg [dreg:$0x1];
	p0 =	sne.s32 s2, $0x0  }
0x147: {  	s3 =	rddreg [dreg:$0x2];
	[bflag:$0x3] =	sbarrier.arrive $0xFFFF;
	s2 =	simm.s32 @!p0 $0x1C11  }
0x148: {  	[timem:s3], [sflag:s2] =	dma.local @!p0 [hbm:s0], s1  }
0x149: {  	s0 =	simm.s32 @!p0 $0x11  }
0x14a: {  	_ =	swait.ge @!p0 [sflag:s0], s1  }
0x14b: {  	s1 =	ssub.s32 @!p0 $0x0, s1;
	[sflag:s0] =	ssyncset.done @!p0 $0x0  }
0x14c: {  	[sflag:s0] =	ssyncadd.s32 @!p0 s1  }
0x14d: {  	[bflag:$0x3] =	sbarrier.arrive $0xFFFF  }
0x14e: {  	_ =	shalt  }

</sc_bundles>
